<compile_context>
chip_gen: v7x
topology: tpu7x:2x2x1
jax: 0.10.2.dev20260603
libtpu: 0.0.44.dev20260713+nightly
codegen_flags: <defaults>
</compile_context>

<pallas_src>
import functools

import jax
import jax.numpy as jnp
from jax import lax
from jax.experimental import pallas as pl
from jax.experimental.pallas import tpu as pltpu
from jax.experimental.pallas import tpu_sc as plsc

N = 10000
E = 320000
D_IN = 128
LATENT = 64
D_OUT = 128

NC = 2
NS = 16
NW = NC * NS
EPW = E // NW
C1 = 100
C2 = 125
RPT = 632
NPAD = NS * RPT
DW = 8

_MESH = plsc.VectorSubcoreMesh(core_axis_name="c", subcore_axis_name="s")


def _sc_aggregate(D, with_deg, C):

    NCH = EPW // C

    def body(table, src3, dst3, zacc, zdeg, ones_in, acc_out, deg_out,
             src_v, dst_v, rows0, rows1, acc_sh, sem0, sem1,
             ones_v=None, deg_sh=None):
        cid = lax.axis_index("c")
        sid = lax.axis_index("s")
        wid = cid * NS + sid
        row0 = sid * RPT
        pltpu.sync_copy(zacc, acc_sh.at[pl.ds(row0, RPT)])
        if with_deg:
            pltpu.sync_copy(zdeg, deg_sh.at[pl.ds(row0, RPT)])
            pltpu.sync_copy(ones_in, ones_v)
        pltpu.sync_copy(src3.at[wid], src_v)
        pltpu.sync_copy(dst3.at[wid], dst_v)
        plsc.subcore_barrier()

        pltpu.async_copy(table.at[src_v.at[0]], rows0, sem0)
        pltpu.async_copy(table.at[src_v.at[1]], rows1, sem1)

        def step(p, carry):
            j0 = 2 * p
            pltpu.make_async_copy(table.at[src_v.at[j0]], rows0, sem0).wait()
            pltpu.sync_copy(rows0, acc_sh.at[dst_v.at[j0]], add=True)
            if with_deg:
                pltpu.sync_copy(ones_v, deg_sh.at[dst_v.at[j0]], add=True)

            @pl.when(j0 + 2 < NCH)
            def _():
                pltpu.async_copy(table.at[src_v.at[j0 + 2]], rows0, sem0)

            pltpu.make_async_copy(table.at[src_v.at[j0 + 1]], rows1,
                                  sem1).wait()
            pltpu.sync_copy(rows1, acc_sh.at[dst_v.at[j0 + 1]], add=True)
            if with_deg:
                pltpu.sync_copy(ones_v, deg_sh.at[dst_v.at[j0 + 1]], add=True)

            @pl.when(j0 + 3 < NCH)
            def _():
                pltpu.async_copy(table.at[src_v.at[j0 + 3]], rows1, sem1)

            return carry

        lax.fori_loop(0, NCH // 2, step, 0)
        if NCH % 2:
            pltpu.make_async_copy(table.at[src_v.at[NCH - 1]], rows0,
                                  sem0).wait()
            pltpu.sync_copy(rows0, acc_sh.at[dst_v.at[NCH - 1]], add=True)
            if with_deg:
                pltpu.sync_copy(ones_v, deg_sh.at[dst_v.at[NCH - 1]],
                                add=True)
        plsc.subcore_barrier()
        pltpu.sync_copy(acc_sh.at[pl.ds(row0, RPT)],
                        acc_out.at[cid].at[pl.ds(row0, RPT)])
        if with_deg:
            pltpu.sync_copy(deg_sh.at[pl.ds(row0, RPT)],
                            deg_out.at[cid].at[pl.ds(row0, RPT)])

    out_type = [jax.ShapeDtypeStruct((NC, NPAD, D), jnp.float32)]
    scratch = [
        pltpu.VMEM((NCH, C), jnp.int32),
        pltpu.VMEM((NCH, C), jnp.int32),
        pltpu.VMEM((C, D), jnp.float32),
        pltpu.VMEM((C, D), jnp.float32),
        pltpu.VMEM_SHARED((NPAD, D), jnp.float32),
        pltpu.SemaphoreType.DMA,
        pltpu.SemaphoreType.DMA,
    ]
    if with_deg:
        out_type.append(jax.ShapeDtypeStruct((NC, NPAD, DW), jnp.float32))
        scratch += [
            pltpu.VMEM((C, DW), jnp.float32),
            pltpu.VMEM_SHARED((NPAD, DW), jnp.float32),
        ]
        fn = body
    else:
        def fn(table, src3, dst3, zacc, acc_out, src_v, dst_v, rows0, rows1,
               acc_sh, sem0, sem1):
            body(table, src3, dst3, zacc, None, None, acc_out, None,
                 src_v, dst_v, rows0, rows1, acc_sh, sem0, sem1)

    return pl.kernel(
        fn,
        out_type=tuple(out_type) if with_deg else out_type[0],
        mesh=_MESH,
        compiler_params=pltpu.CompilerParams(use_tc_tiling_on_sc=False),
        scratch_types=tuple(scratch),
    )


def _sc_degree(C):
    NCH = EPW // C

    def body(dst3, zdeg, ones_in, deg_out, dst_v, ones_v, deg_sh):
        cid = lax.axis_index("c")
        sid = lax.axis_index("s")
        wid = cid * NS + sid
        row0 = sid * RPT
        pltpu.sync_copy(zdeg, deg_sh.at[pl.ds(row0, RPT)])
        pltpu.sync_copy(ones_in, ones_v)
        pltpu.sync_copy(dst3.at[wid], dst_v)
        plsc.subcore_barrier()

        def step(j, carry):
            pltpu.sync_copy(ones_v, deg_sh.at[dst_v.at[j]], add=True)
            return carry

        lax.fori_loop(0, NCH, step, 0)
        plsc.subcore_barrier()
        pltpu.sync_copy(deg_sh.at[pl.ds(row0, RPT)],
                        deg_out.at[cid].at[pl.ds(row0, RPT)])

    return pl.kernel(
        body,
        out_type=jax.ShapeDtypeStruct((NC, NPAD, DW), jnp.float32),
        mesh=_MESH,
        compiler_params=pltpu.CompilerParams(use_tc_tiling_on_sc=False),
        scratch_types=(
            pltpu.VMEM((NCH, C), jnp.int32),
            pltpu.VMEM((C, DW), jnp.float32),
            pltpu.VMEM_SHARED((NPAD, DW), jnp.float32),
        ),
    )


_sc_pass1 = _sc_aggregate(D_IN, with_deg=False, C=C1)
_sc_deg = _sc_degree(C=C2)
_sc_pass2 = _sc_aggregate(LATENT, with_deg=False, C=C2)


BN = 400
GRID = N // BN


def _enc_body(h_ref, a_ref, d_ref, n_ref, wsm, wsl, wnm, wnl, bm, bl, z_ref):
    deg = jnp.maximum(d_ref[0, :, 0:1] + d_ref[1, :, 0:1], 1.0)
    agg = (a_ref[0] + a_ref[1]) / deg
    hh = h_ref[...]
    dot = functools.partial(jnp.dot, preferred_element_type=jnp.float32)
    mean = dot(hh, wsm[...]) + dot(agg, wnm[...]) + bm[...]
    logvar = dot(hh, wsl[...]) + dot(agg, wnl[...]) + bl[...]
    logvar = jnp.clip(logvar, -30.0, 20.0)
    z_ref[...] = mean + jnp.exp(0.5 * logvar) * n_ref[...]


def _dec_body(z_ref, a_ref, d_ref, ws, wn, b_ref, o_ref):
    deg = jnp.maximum(d_ref[0, :, 0:1] + d_ref[1, :, 0:1], 1.0)
    zagg = (a_ref[0] + a_ref[1]) / deg
    dot = functools.partial(jnp.dot, preferred_element_type=jnp.float32)
    o_ref[...] = dot(z_ref[...], ws[...]) + dot(zagg, wn[...]) + b_ref[...]


def _row_spec(w):
    return pl.BlockSpec((BN, w), lambda i: (i, 0))


def _part_spec(w):
    return pl.BlockSpec((NC, BN, w), lambda i: (0, i, 0))


def _full_spec(r, c):
    return pl.BlockSpec((r, c), lambda i: (0, 0))


_tc_encode = pl.pallas_call(
    _enc_body,
    grid=(GRID,),
    in_specs=[
        _row_spec(D_IN), _part_spec(D_IN), _part_spec(DW), _row_spec(LATENT),
        _full_spec(D_IN, LATENT), _full_spec(D_IN, LATENT),
        _full_spec(D_IN, LATENT), _full_spec(D_IN, LATENT),
        _full_spec(1, LATENT), _full_spec(1, LATENT),
    ],
    out_specs=_row_spec(LATENT),
    out_shape=jax.ShapeDtypeStruct((N, LATENT), jnp.float32),
)

_tc_decode = pl.pallas_call(
    _dec_body,
    grid=(GRID,),
    in_specs=[
        _row_spec(LATENT), _part_spec(LATENT), _part_spec(DW),
        _full_spec(LATENT, D_OUT), _full_spec(LATENT, D_OUT),
        _full_spec(1, D_OUT),
    ],
    out_specs=_row_spec(D_OUT),
    out_shape=jax.ShapeDtypeStruct((N, D_OUT), jnp.float32),
)


def kernel(x, edge_index, noise, W_enc_self, W_enc_nbr, b_enc,
           W_dec_self, W_dec_nbr, b_dec):
    b = x.shape[0]
    h = x.reshape(N, D_IN)
    src1 = edge_index[0].reshape(NW, EPW // C1, C1)
    dst1 = edge_index[1].reshape(NW, EPW // C1, C1)
    src2 = edge_index[0].reshape(NW, EPW // C2, C2)
    dst2 = edge_index[1].reshape(NW, EPW // C2, C2)
    zacc1 = jnp.zeros((RPT, D_IN), jnp.float32)
    zacc2 = jnp.zeros((RPT, LATENT), jnp.float32)
    zdeg = jnp.zeros((RPT, DW), jnp.float32)
    ones = jnp.ones((C2, DW), jnp.float32)

    deg_parts = _sc_deg(dst2, zdeg, ones)
    agg_parts = _sc_pass1(h, src1, dst1, zacc1)
    z = _tc_encode(
        h, agg_parts, deg_parts, noise.reshape(N, LATENT),
        W_enc_self[:, :LATENT], W_enc_self[:, LATENT:],
        W_enc_nbr[:, :LATENT], W_enc_nbr[:, LATENT:],
        b_enc[:LATENT].reshape(1, LATENT), b_enc[LATENT:].reshape(1, LATENT),
    )
    zagg_parts = _sc_pass2(z, src2, dst2, zacc2)
    dec = _tc_decode(
        z, zagg_parts, deg_parts,
        W_dec_self, W_dec_nbr, b_dec.reshape(1, D_OUT),
    )
    return dec.reshape(b, N, D_OUT)

# --- scband reference (transcript-rebuilt; emitter-appended) ---
"""Pipeline reference for scband-novae-63694364999875 (READ-ONLY COPY).

The authoritative reference and input builder live on the scoring server;
editing this copy changes nothing except your own understanding.
"""

import jax, jax.numpy as jnp
import numpy as np

N = 10000
E = 320000
D_IN = 128
LATENT = 64
D_OUT = 128


def setup_inputs(seed: int = 0) -> dict:
    key = jax.random.key(seed)
    ks = jax.random.split(key, 10)
    x = jax.random.normal(ks[0], (1, N, 1, D_IN), dtype=jnp.float32)
    edge_index = jax.random.randint(ks[1], (2, E), 0, N, dtype=jnp.int32)
    noise = jax.random.normal(ks[2], (1, N, LATENT), dtype=jnp.float32)
    W_enc_self = jax.random.normal(ks[3], (D_IN, 2 * LATENT), dtype=jnp.float32) * 0.02
    W_enc_nbr = jax.random.normal(ks[4], (D_IN, 2 * LATENT), dtype=jnp.float32) * 0.02
    b_enc = jnp.zeros((2 * LATENT,), dtype=jnp.float32)
    W_dec_self = jax.random.normal(ks[5], (LATENT, D_OUT), dtype=jnp.float32) * 0.02
    W_dec_nbr = jax.random.normal(ks[6], (LATENT, D_OUT), dtype=jnp.float32) * 0.02
    b_dec = jnp.zeros((D_OUT,), dtype=jnp.float32)
    return {
        "x": x,
        "edge_index": edge_index,
        "noise": noise,
        "W_enc_self": W_enc_self,
        "W_enc_nbr": W_enc_nbr,
        "b_enc": b_enc,
        "W_dec_self": W_dec_self,
        "W_dec_nbr": W_dec_nbr,
        "b_dec": b_dec,
    }


def reference(x, edge_index, noise, W_enc_self, W_enc_nbr, b_enc, W_dec_self, W_dec_nbr, b_dec):
    # NOVAE.forward: x.view(b, n, -1, model_dim_in) -> encode (graph message-passing NoLayer blocks)
    # -> DiagonalGaussianDistribution -> sample -> decode (graph message-passing) -> out
    b, n = x.shape[:2]
    h = x.reshape(n, -1)  # [N, D_IN] (b=1, inner var dim collapses)
    src = edge_index[0]
    dst = edge_index[1]
    # Encoder message passing over the icon grid adjacency (gather + scatter-add)
    msg = h[src]  # gather [E, D_IN]
    agg = jax.ops.segment_sum(msg, dst, num_segments=n)
    deg = jax.ops.segment_sum(jnp.ones((msg.shape[0], 1), dtype=h.dtype), dst, num_segments=n)
    agg = agg / jnp.maximum(deg, 1.0)
    moments = h @ W_enc_self + agg @ W_enc_nbr + b_enc  # [N, 2*LATENT]
    mean, logvar = jnp.split(moments, 2, axis=-1)
    logvar = jnp.clip(logvar, -30.0, 20.0)
    std = jnp.exp(0.5 * logvar)
    # DiagonalGaussianDistribution.sample() with externally supplied noise for determinism
    z = mean + std * noise.reshape(n, -1)  # [N, LATENT]
    # Decoder message passing (gather + scatter-add)
    zmsg = z[src]
    zagg = jax.ops.segment_sum(zmsg, dst, num_segments=n) / jnp.maximum(deg, 1.0)
    dec = z @ W_dec_self + zagg @ W_dec_nbr + b_dec  # [N, D_OUT]
    return dec.reshape(b, n, D_OUT)

if __name__ == "__main__":
    import jax
    _d = setup_inputs()
    print(jax.jit(kernel)(*tuple(_d.values())))

</pallas_src>

<mosaic_0001>
#map = affine_map<(d0, d1) -> (0, 0, 0)>
#map1 = affine_map<(d0, d1) -> (0, 0)>
module attributes {stable_mosaic.version = 14 : i64} {
  func.func @body(%arg0: i32, %arg1: i32, %arg2: memref<32x80x125xi32, #tpu.memory_space<hbm>>, %arg3: memref<632x8xf32, #tpu.memory_space<hbm>>, %arg4: memref<125x8xf32, #tpu.memory_space<hbm>>, %arg5: memref<2x10112x8xf32, #tpu.memory_space<hbm>>, %arg6: memref<80x125xi32, #tpu.memory_space<vmem>>, %arg7: memref<125x8xf32, #tpu.memory_space<vmem>>, %arg8: memref<10112x8xf32, #tpu.memory_space<vmem_shared>>) attributes {dimension_semantics = [#tpu.dimension_semantics<core_parallel>, #tpu.dimension_semantics<subcore_parallel>], iteration_bounds = array<i64: 2, 16>, scalar_prefetch = 0 : i64, scratch_operands = 3 : i64, tpu.core_type = #tpu.core_type<sc_vector_subcore>, window_params = [{transform_indices = #map}, {transform_indices = #map1}, {transform_indices = #map1}, {transform_indices = #map}]} {
    %mul3A = arith.constant 16 : i32
    %mul3A_0 = arith.muli %arg0, %mul3A : i32
    %add3A = arith.addi %mul3A_0, %arg1 : i32
    %mul3A_1 = arith.constant 632 : i32
    %mul3A_2 = arith.muli %arg1, %mul3A_1 : i32
    "tpu.region"() ({
      %run_scoped3A = tpu.sem_alloc : memref<!tpu.dma_semaphore, #tpu.memory_space<semaphore_mem>>
      %dma_start3A = arith.constant 0 : i32
      %dma_start3A_9 = tpu.memref_slice %arg8[%mul3A_2, %dma_start3A] : memref<10112x8xf32, #tpu.memory_space<vmem_shared>> -> memref<632x8xf32, #tpu.memory_space<vmem_shared>>
      tpu.enqueue_dma source(%arg3 : memref<632x8xf32, #tpu.memory_space<hbm>>) target(%dma_start3A_9 : memref<632x8xf32, #tpu.memory_space<vmem_shared>>) target_semaphore(%run_scoped3A : memref<!tpu.dma_semaphore, #tpu.memory_space<semaphore_mem>>)
      %dma_wait3A = arith.constant 0 : i32
      %dma_wait3A_10 = tpu.memref_slice %arg8[%mul3A_2, %dma_wait3A] : memref<10112x8xf32, #tpu.memory_space<vmem_shared>> -> memref<632x8xf32, #tpu.memory_space<vmem_shared>>
      tpu.wait_dma2 semaphore(%run_scoped3A : memref<!tpu.dma_semaphore, #tpu.memory_space<semaphore_mem>>) src(%arg3 : memref<632x8xf32, #tpu.memory_space<hbm>>) dst(%dma_wait3A_10 : memref<632x8xf32, #tpu.memory_space<vmem_shared>>)
      tpu.yield
    }) : () -> ()
    "tpu.region"() ({
      %run_scoped3A = tpu.sem_alloc : memref<!tpu.dma_semaphore, #tpu.memory_space<semaphore_mem>>
      tpu.enqueue_dma source(%arg4 : memref<125x8xf32, #tpu.memory_space<hbm>>) target(%arg7 : memref<125x8xf32, #tpu.memory_space<vmem>>) target_semaphore(%run_scoped3A : memref<!tpu.dma_semaphore, #tpu.memory_space<semaphore_mem>>)
      tpu.wait_dma2 semaphore(%run_scoped3A : memref<!tpu.dma_semaphore, #tpu.memory_space<semaphore_mem>>) src(%arg4 : memref<125x8xf32, #tpu.memory_space<hbm>>) dst(%arg7 : memref<125x8xf32, #tpu.memory_space<vmem>>)
      tpu.yield
    }) : () -> ()
    "tpu.region"() ({
      %run_scoped3A = tpu.sem_alloc : memref<!tpu.dma_semaphore, #tpu.memory_space<semaphore_mem>>
      %dma_start3A = arith.constant 0 : i32
      %dma_start3A_9 = arith.constant 0 : i32
      %dma_start3A_10 = tpu.memref_slice %arg2[%add3A, %dma_start3A, %dma_start3A_9] : memref<32x80x125xi32, #tpu.memory_space<hbm>> -> memref<1x80x125xi32, #tpu.memory_space<hbm>>
      %dma_start3A_11 = tpu.memref_squeeze %dma_start3A_10 : memref<1x80x125xi32, #tpu.memory_space<hbm>> -> memref<80x125xi32, #tpu.memory_space<hbm>>
      %dma_start3A_12 = arith.constant 0 : i32
      %dma_start3A_13 = arith.constant 0 : i32
      %dma_start3A_14 = tpu.memref_slice %arg2[%add3A, %dma_start3A_12, %dma_start3A_13] : memref<32x80x125xi32, #tpu.memory_space<hbm>> -> memref<1x80x125xi32, #tpu.memory_space<hbm>>
      %dma_start3A_15 = tpu.memref_squeeze %dma_start3A_14 : memref<1x80x125xi32, #tpu.memory_space<hbm>> -> memref<80x125xi32, #tpu.memory_space<hbm>>
      tpu.enqueue_dma source(%dma_start3A_15 : memref<80x125xi32, #tpu.memory_space<hbm>>) target(%arg6 : memref<80x125xi32, #tpu.memory_space<vmem>>) target_semaphore(%run_scoped3A : memref<!tpu.dma_semaphore, #tpu.memory_space<semaphore_mem>>)
      %dma_wait3A = arith.constant 0 : i32
      %dma_wait3A_16 = arith.constant 0 : i32
      %dma_wait3A_17 = tpu.memref_slice %arg2[%add3A, %dma_wait3A, %dma_wait3A_16] : memref<32x80x125xi32, #tpu.memory_space<hbm>> -> memref<1x80x125xi32, #tpu.memory_space<hbm>>
      %dma_wait3A_18 = tpu.memref_squeeze %dma_wait3A_17 : memref<1x80x125xi32, #tpu.memory_space<hbm>> -> memref<80x125xi32, #tpu.memory_space<hbm>>
      %dma_wait3A_19 = arith.constant 0 : i32
      %dma_wait3A_20 = arith.constant 0 : i32
      %dma_wait3A_21 = tpu.memref_slice %arg2[%add3A, %dma_wait3A_19, %dma_wait3A_20] : memref<32x80x125xi32, #tpu.memory_space<hbm>> -> memref<1x80x125xi32, #tpu.memory_space<hbm>>
      %dma_wait3A_22 = tpu.memref_squeeze %dma_wait3A_21 : memref<1x80x125xi32, #tpu.memory_space<hbm>> -> memref<80x125xi32, #tpu.memory_space<hbm>>
      tpu.wait_dma2 semaphore(%run_scoped3A : memref<!tpu.dma_semaphore, #tpu.memory_space<semaphore_mem>>) src(%dma_wait3A_22 : memref<80x125xi32, #tpu.memory_space<hbm>>) dst(%arg6 : memref<80x125xi32, #tpu.memory_space<vmem>>)
      tpu.yield
    }) : () -> ()
    %barrier3A = arith.constant 0 : index
    tpu.barrier barrier_id(%barrier3A)
    %scan3A = arith.constant 0 : i32
    %scan3A_3 = arith.constant 0 : i32
    %scan3A_4 = arith.constant 80 : i32
    %scan3A_5 = arith.addi %scan3A_3, %scan3A_4 : i32
    %scan3A_6 = arith.constant 1 : i32
    scf.for %scan3A_9 = %scan3A_3 to %scan3A_5 step %scan3A_6  : i32 {
      "tpu.region"() ({
        %run_scoped3A = tpu.sem_alloc : memref<!tpu.dma_semaphore, #tpu.memory_space<semaphore_mem>>
        %dma_start3A = arith.constant 0 : i32
        %dma_start3A_10 = tpu.memref_slice %arg6[%scan3A_9, %dma_start3A] : memref<80x125xi32, #tpu.memory_space<vmem>> -> memref<1x125xi32, #tpu.memory_space<vmem>>
        %dma_start3A_11 = tpu.memref_squeeze %dma_start3A_10 : memref<1x125xi32, #tpu.memory_space<vmem>> -> memref<125xi32, #tpu.memory_space<vmem>>
        %dma_start3A_12 = arith.constant 0 : i32
        %dma_start3A_13 = arith.constant 0 : i32
        %dma_start3A_14 = tpu.memref_slice %arg8[%dma_start3A_12, %dma_start3A_13] : memref<10112x8xf32, #tpu.memory_space<vmem_shared>> -> memref<10112x8xf32, #tpu.memory_space<vmem_shared>>
        tpu.enqueue_indirect_dma source(%arg7 : memref<125x8xf32, #tpu.memory_space<vmem>>) target(%dma_start3A_14 : memref<10112x8xf32, #tpu.memory_space<vmem_shared>>) offsets(%dma_start3A_11 : memref<125xi32, #tpu.memory_space<vmem>>) semaphore(%run_scoped3A : memref<!tpu.dma_semaphore, #tpu.memory_space<semaphore_mem>>) {add = true}
        %dma_wait3A = arith.constant 0 : i32
        %dma_wait3A_15 = tpu.memref_slice %arg6[%scan3A_9, %dma_wait3A] : memref<80x125xi32, #tpu.memory_space<vmem>> -> memref<1x125xi32, #tpu.memory_space<vmem>>
        %dma_wait3A_16 = tpu.memref_squeeze %dma_wait3A_15 : memref<1x125xi32, #tpu.memory_space<vmem>> -> memref<125xi32, #tpu.memory_space<vmem>>
        %dma_wait3A_17 = arith.constant 0 : i32
        %dma_wait3A_18 = arith.constant 0 : i32
        %dma_wait3A_19 = tpu.memref_slice %arg8[%dma_wait3A_17, %dma_wait3A_18] : memref<10112x8xf32, #tpu.memory_space<vmem_shared>> -> memref<10112x8xf32, #tpu.memory_space<vmem_shared>>
        tpu.wait_indirect_dma semaphore(%run_scoped3A : memref<!tpu.dma_semaphore, #tpu.memory_space<semaphore_mem>>) src(%arg7 : memref<125x8xf32, #tpu.memory_space<vmem>>) dst(%dma_wait3A_19 : memref<10112x8xf32, #tpu.memory_space<vmem_shared>>)
        tpu.yield
      }) : () -> ()
    }
    %scan3A_7 = arith.constant 80 : i32
    %barrier3A_8 = arith.constant 0 : index
    tpu.barrier barrier_id(%barrier3A_8)
    "tpu.region"() ({
      %run_scoped3A = tpu.sem_alloc : memref<!tpu.dma_semaphore, #tpu.memory_space<semaphore_mem>>
      %dma_start3A = arith.constant 0 : i32
      %dma_start3A_9 = arith.constant 0 : i32
      %dma_start3A_10 = tpu.memref_slice %arg5[%arg0, %dma_start3A, %dma_start3A_9] : memref<2x10112x8xf32, #tpu.memory_space<hbm>> -> memref<1x10112x8xf32, #tpu.memory_space<hbm>>
      %dma_start3A_11 = tpu.memref_squeeze %dma_start3A_10 : memref<1x10112x8xf32, #tpu.memory_space<hbm>> -> memref<10112x8xf32, #tpu.memory_space<hbm>>
      %dma_start3A_12 = arith.constant 0 : i32
      %dma_start3A_13 = tpu.memref_slice %dma_start3A_11[%mul3A_2, %dma_start3A_12] : memref<10112x8xf32, #tpu.memory_space<hbm>> -> memref<632x8xf32, #tpu.memory_space<hbm>>
      %dma_start3A_14 = arith.constant 0 : i32
      %dma_start3A_15 = tpu.memref_slice %arg8[%mul3A_2, %dma_start3A_14] : memref<10112x8xf32, #tpu.memory_space<vmem_shared>> -> memref<632x8xf32, #tpu.memory_space<vmem_shared>>
      tpu.enqueue_dma source(%dma_start3A_15 : memref<632x8xf32, #tpu.memory_space<vmem_shared>>) target(%dma_start3A_13 : memref<632x8xf32, #tpu.memory_space<hbm>>) target_semaphore(%run_scoped3A : memref<!tpu.dma_semaphore, #tpu.memory_space<semaphore_mem>>)
      %dma_wait3A = arith.constant 0 : i32
      %dma_wait3A_16 = arith.constant 0 : i32
      %dma_wait3A_17 = tpu.memref_slice %arg5[%arg0, %dma_wait3A, %dma_wait3A_16] : memref<2x10112x8xf32, #tpu.memory_space<hbm>> -> memref<1x10112x8xf32, #tpu.memory_space<hbm>>
      %dma_wait3A_18 = tpu.memref_squeeze %dma_wait3A_17 : memref<1x10112x8xf32, #tpu.memory_space<hbm>> -> memref<10112x8xf32, #tpu.memory_space<hbm>>
      %dma_wait3A_19 = arith.constant 0 : i32
      %dma_wait3A_20 = tpu.memref_slice %dma_wait3A_18[%mul3A_2, %dma_wait3A_19] : memref<10112x8xf32, #tpu.memory_space<hbm>> -> memref<632x8xf32, #tpu.memory_space<hbm>>
      %dma_wait3A_21 = arith.constant 0 : i32
      %dma_wait3A_22 = tpu.memref_slice %arg8[%mul3A_2, %dma_wait3A_21] : memref<10112x8xf32, #tpu.memory_space<vmem_shared>> -> memref<632x8xf32, #tpu.memory_space<vmem_shared>>
      tpu.wait_dma2 semaphore(%run_scoped3A : memref<!tpu.dma_semaphore, #tpu.memory_space<semaphore_mem>>) src(%dma_wait3A_22 : memref<632x8xf32, #tpu.memory_space<vmem_shared>>) dst(%dma_wait3A_20 : memref<632x8xf32, #tpu.memory_space<hbm>>)
      tpu.yield
    }) : () -> ()
    return
  }
}

#map = affine_map<(d0, d1) -> (0, 0)>
#map1 = affine_map<(d0, d1) -> (0, 0, 0)>
module attributes {stable_mosaic.version = 14 : i64} {
  func.func @fn(%arg0: i32, %arg1: i32, %arg2: memref<10000x64xf32, #tpu.memory_space<hbm>>, %arg3: memref<32x80x125xi32, #tpu.memory_space<hbm>>, %arg4: memref<32x80x125xi32, #tpu.memory_space<hbm>>, %arg5: memref<632x64xf32, #tpu.memory_space<hbm>>, %arg6: memref<2x10112x64xf32, #tpu.memory_space<hbm>>, %arg7: memref<80x125xi32, #tpu.memory_space<vmem>>, %arg8: memref<80x125xi32, #tpu.memory_space<vmem>>, %arg9: memref<125x64xf32, #tpu.memory_space<vmem>>, %arg10: memref<125x64xf32, #tpu.memory_space<vmem>>, %arg11: memref<10112x64xf32, #tpu.memory_space<vmem_shared>>, %arg12: memref<!tpu.dma_semaphore, #tpu.memory_space<semaphore_mem>>, %arg13: memref<!tpu.dma_semaphore, #tpu.memory_space<semaphore_mem>>) attributes {dimension_semantics = [#tpu.dimension_semantics<core_parallel>, #tpu.dimension_semantics<subcore_parallel>], iteration_bounds = array<i64: 2, 16>, scalar_prefetch = 0 : i64, scratch_operands = 7 : i64, tpu.core_type = #tpu.core_type<sc_vector_subcore>, window_params = [{transform_indices = #map}, {transform_indices = #map1}, {transform_indices = #map1}, {transform_indices = #map}, {transform_indices = #map1}]} {
    %mul3A = arith.constant 16 : i32
    %mul3A_0 = arith.muli %arg0, %mul3A : i32
    %add3A = arith.addi %mul3A_0, %arg1 : i32
    %mul3A_1 = arith.constant 632 : i32
    %mul3A_2 = arith.muli %arg1, %mul3A_1 : i32
    "tpu.region"() ({
      %run_scoped3A = tpu.sem_alloc : memref<!tpu.dma_semaphore, #tpu.memory_space<semaphore_mem>>
      %dma_start3A_22 = arith.constant 0 : i32
      %dma_start3A_23 = tpu.memref_slice %arg11[%mul3A_2, %dma_start3A_22] : memref<10112x64xf32, #tpu.memory_space<vmem_shared>> -> memref<632x64xf32, #tpu.memory_space<vmem_shared>>
      tpu.enqueue_dma source(%arg5 : memref<632x64xf32, #tpu.memory_space<hbm>>) target(%dma_start3A_23 : memref<632x64xf32, #tpu.memory_space<vmem_shared>>) target_semaphore(%run_scoped3A : memref<!tpu.dma_semaphore, #tpu.memory_space<semaphore_mem>>)
      %dma_wait3A = arith.constant 0 : i32
      %dma_wait3A_24 = tpu.memref_slice %arg11[%mul3A_2, %dma_wait3A] : memref<10112x64xf32, #tpu.memory_space<vmem_shared>> -> memref<632x64xf32, #tpu.memory_space<vmem_shared>>
      tpu.wait_dma2 semaphore(%run_scoped3A : memref<!tpu.dma_semaphore, #tpu.memory_space<semaphore_mem>>) src(%arg5 : memref<632x64xf32, #tpu.memory_space<hbm>>) dst(%dma_wait3A_24 : memref<632x64xf32, #tpu.memory_space<vmem_shared>>)
      tpu.yield
    }) : () -> ()
    "tpu.region"() ({
      %run_scoped3A = tpu.sem_alloc : memref<!tpu.dma_semaphore, #tpu.memory_space<semaphore_mem>>
      %dma_start3A_22 = arith.constant 0 : i32
      %dma_start3A_23 = arith.constant 0 : i32
      %dma_start3A_24 = tpu.memref_slice %arg3[%add3A, %dma_start3A_22, %dma_start3A_23] : memref<32x80x125xi32, #tpu.memory_space<hbm>> -> memref<1x80x125xi32, #tpu.memory_space<hbm>>
      %dma_start3A_25 = tpu.memref_squeeze %dma_start3A_24 : memref<1x80x125xi32, #tpu.memory_space<hbm>> -> memref<80x125xi32, #tpu.memory_space<hbm>>
      %dma_start3A_26 = arith.constant 0 : i32
      %dma_start3A_27 = arith.constant 0 : i32
      %dma_start3A_28 = tpu.memref_slice %arg3[%add3A, %dma_start3A_26, %dma_start3A_27] : memref<32x80x125xi32, #tpu.memory_space<hbm>> -> memref<1x80x125xi32, #tpu.memory_space<hbm>>
      %dma_start3A_29 = tpu.memref_squeeze %dma_start3A_28 : memref<1x80x125xi32, #tpu.memory_space<hbm>> -> memref<80x125xi32, #tpu.memory_space<hbm>>
      tpu.enqueue_dma source(%dma_start3A_29 : memref<80x125xi32, #tpu.memory_space<hbm>>) target(%arg7 : memref<80x125xi32, #tpu.memory_space<vmem>>) target_semaphore(%run_scoped3A : memref<!tpu.dma_semaphore, #tpu.memory_space<semaphore_mem>>)
      %dma_wait3A = arith.constant 0 : i32
      %dma_wait3A_30 = arith.constant 0 : i32
      %dma_wait3A_31 = tpu.memref_slice %arg3[%add3A, %dma_wait3A, %dma_wait3A_30] : memref<32x80x125xi32, #tpu.memory_space<hbm>> -> memref<1x80x125xi32, #tpu.memory_space<hbm>>
      %dma_wait3A_32 = tpu.memref_squeeze %dma_wait3A_31 : memref<1x80x125xi32, #tpu.memory_space<hbm>> -> memref<80x125xi32, #tpu.memory_space<hbm>>
      %dma_wait3A_33 = arith.constant 0 : i32
      %dma_wait3A_34 = arith.constant 0 : i32
      %dma_wait3A_35 = tpu.memref_slice %arg3[%add3A, %dma_wait3A_33, %dma_wait3A_34] : memref<32x80x125xi32, #tpu.memory_space<hbm>> -> memref<1x80x125xi32, #tpu.memory_space<hbm>>
      %dma_wait3A_36 = tpu.memref_squeeze %dma_wait3A_35 : memref<1x80x125xi32, #tpu.memory_space<hbm>> -> memref<80x125xi32, #tpu.memory_space<hbm>>
      tpu.wait_dma2 semaphore(%run_scoped3A : memref<!tpu.dma_semaphore, #tpu.memory_space<semaphore_mem>>) src(%dma_wait3A_36 : memref<80x125xi32, #tpu.memory_space<hbm>>) dst(%arg7 : memref<80x125xi32, #tpu.memory_space<vmem>>)
      tpu.yield
    }) : () -> ()
    "tpu.region"() ({
      %run_scoped3A = tpu.sem_alloc : memref<!tpu.dma_semaphore, #tpu.memory_space<semaphore_mem>>
      %dma_start3A_22 = arith.constant 0 : i32
      %dma_start3A_23 = arith.constant 0 : i32
      %dma_start3A_24 = tpu.memref_slice %arg4[%add3A, %dma_start3A_22, %dma_start3A_23] : memref<32x80x125xi32, #tpu.memory_space<hbm>> -> memref<1x80x125xi32, #tpu.memory_space<hbm>>
      %dma_start3A_25 = tpu.memref_squeeze %dma_start3A_24 : memref<1x80x125xi32, #tpu.memory_space<hbm>> -> memref<80x125xi32, #tpu.memory_space<hbm>>
      %dma_start3A_26 = arith.constant 0 : i32
      %dma_start3A_27 = arith.constant 0 : i32
      %dma_start3A_28 = tpu.memref_slice %arg4[%add3A, %dma_start3A_26, %dma_start3A_27] : memref<32x80x125xi32, #tpu.memory_space<hbm>> -> memref<1x80x125xi32, #tpu.memory_space<hbm>>
      %dma_start3A_29 = tpu.memref_squeeze %dma_start3A_28 : memref<1x80x125xi32, #tpu.memory_space<hbm>> -> memref<80x125xi32, #tpu.memory_space<hbm>>
      tpu.enqueue_dma source(%dma_start3A_29 : memref<80x125xi32, #tpu.memory_space<hbm>>) target(%arg8 : memref<80x125xi32, #tpu.memory_space<vmem>>) target_semaphore(%run_scoped3A : memref<!tpu.dma_semaphore, #tpu.memory_space<semaphore_mem>>)
      %dma_wait3A = arith.constant 0 : i32
      %dma_wait3A_30 = arith.constant 0 : i32
      %dma_wait3A_31 = tpu.memref_slice %arg4[%add3A, %dma_wait3A, %dma_wait3A_30] : memref<32x80x125xi32, #tpu.memory_space<hbm>> -> memref<1x80x125xi32, #tpu.memory_space<hbm>>
      %dma_wait3A_32 = tpu.memref_squeeze %dma_wait3A_31 : memref<1x80x125xi32, #tpu.memory_space<hbm>> -> memref<80x125xi32, #tpu.memory_space<hbm>>
      %dma_wait3A_33 = arith.constant 0 : i32
      %dma_wait3A_34 = arith.constant 0 : i32
      %dma_wait3A_35 = tpu.memref_slice %arg4[%add3A, %dma_wait3A_33, %dma_wait3A_34] : memref<32x80x125xi32, #tpu.memory_space<hbm>> -> memref<1x80x125xi32, #tpu.memory_space<hbm>>
      %dma_wait3A_36 = tpu.memref_squeeze %dma_wait3A_35 : memref<1x80x125xi32, #tpu.memory_space<hbm>> -> memref<80x125xi32, #tpu.memory_space<hbm>>
      tpu.wait_dma2 semaphore(%run_scoped3A : memref<!tpu.dma_semaphore, #tpu.memory_space<semaphore_mem>>) src(%dma_wait3A_36 : memref<80x125xi32, #tpu.memory_space<hbm>>) dst(%arg8 : memref<80x125xi32, #tpu.memory_space<vmem>>)
      tpu.yield
    }) : () -> ()
    %barrier3A = arith.constant 0 : index
    tpu.barrier barrier_id(%barrier3A)
    %dma_start3A = arith.constant 0 : i32
    %dma_start3A_3 = arith.constant 0 : i32
    %dma_start3A_4 = tpu.memref_slice %arg7[%dma_start3A, %dma_start3A_3] : memref<80x125xi32, #tpu.memory_space<vmem>> -> memref<1x125xi32, #tpu.memory_space<vmem>>
    %dma_start3A_5 = tpu.memref_squeeze %dma_start3A_4 : memref<1x125xi32, #tpu.memory_space<vmem>> -> memref<125xi32, #tpu.memory_space<vmem>>
    %dma_start3A_6 = arith.constant 0 : i32
    %dma_start3A_7 = arith.constant 0 : i32
    %dma_start3A_8 = tpu.memref_slice %arg2[%dma_start3A_6, %dma_start3A_7] : memref<10000x64xf32, #tpu.memory_space<hbm>> -> memref<10000x64xf32, #tpu.memory_space<hbm>>
    tpu.enqueue_indirect_dma source(%dma_start3A_8 : memref<10000x64xf32, #tpu.memory_space<hbm>>) target(%arg9 : memref<125x64xf32, #tpu.memory_space<vmem>>) offsets(%dma_start3A_5 : memref<125xi32, #tpu.memory_space<vmem>>) semaphore(%arg12 : memref<!tpu.dma_semaphore, #tpu.memory_space<semaphore_mem>>)
    %dma_start3A_9 = arith.constant 1 : i32
    %dma_start3A_10 = arith.constant 0 : i32
    %dma_start3A_11 = tpu.memref_slice %arg7[%dma_start3A_9, %dma_start3A_10] : memref<80x125xi32, #tpu.memory_space<vmem>> -> memref<1x125xi32, #tpu.memory_space<vmem>>
    %dma_start3A_12 = tpu.memref_squeeze %dma_start3A_11 : memref<1x125xi32, #tpu.memory_space<vmem>> -> memref<125xi32, #tpu.memory_space<vmem>>
    %dma_start3A_13 = arith.constant 0 : i32
    %dma_start3A_14 = arith.constant 0 : i32
    %dma_start3A_15 = tpu.memref_slice %arg2[%dma_start3A_13, %dma_start3A_14] : memref<10000x64xf32, #tpu.memory_space<hbm>> -> memref<10000x64xf32, #tpu.memory_space<hbm>>
    tpu.enqueue_indirect_dma source(%dma_start3A_15 : memref<10000x64xf32, #tpu.memory_space<hbm>>) target(%arg10 : memref<125x64xf32, #tpu.memory_space<vmem>>) offsets(%dma_start3A_12 : memref<125xi32, #tpu.memory_space<vmem>>) semaphore(%arg13 : memref<!tpu.dma_semaphore, #tpu.memory_space<semaphore_mem>>)
    %scan3A = arith.constant 0 : i32
    %scan3A_16 = arith.constant 0 : i32
    %scan3A_17 = arith.constant 40 : i32
    %scan3A_18 = arith.addi %scan3A_16, %scan3A_17 : i32
    %scan3A_19 = arith.constant 1 : i32
    scf.for %scan3A_22 = %scan3A_16 to %scan3A_18 step %scan3A_19  : i32 {
      %mul3A_23 = arith.constant 2 : i32
      %mul3A_24 = arith.muli %mul3A_23, %scan3A_22 : i32
      %dma_wait3A = arith.constant 0 : i32
      %dma_wait3A_25 = tpu.memref_slice %arg7[%mul3A_24, %dma_wait3A] : memref<80x125xi32, #tpu.memory_space<vmem>> -> memref<1x125xi32, #tpu.memory_space<vmem>>
      %dma_wait3A_26 = tpu.memref_squeeze %dma_wait3A_25 : memref<1x125xi32, #tpu.memory_space<vmem>> -> memref<125xi32, #tpu.memory_space<vmem>>
      %dma_wait3A_27 = arith.constant 0 : i32
      %dma_wait3A_28 = arith.constant 0 : i32
      %dma_wait3A_29 = tpu.memref_slice %arg2[%dma_wait3A_27, %dma_wait3A_28] : memref<10000x64xf32, #tpu.memory_space<hbm>> -> memref<10000x64xf32, #tpu.memory_space<hbm>>
      tpu.wait_indirect_dma semaphore(%arg12 : memref<!tpu.dma_semaphore, #tpu.memory_space<semaphore_mem>>) src(%dma_wait3A_29 : memref<10000x64xf32, #tpu.memory_space<hbm>>) dst(%arg9 : memref<125x64xf32, #tpu.memory_space<vmem>>)
      "tpu.region"() ({
        %run_scoped3A = tpu.sem_alloc : memref<!tpu.dma_semaphore, #tpu.memory_space<semaphore_mem>>
        %dma_start3A_51 = arith.constant 0 : i32
        %dma_start3A_52 = tpu.memref_slice %arg8[%mul3A_24, %dma_start3A_51] : memref<80x125xi32, #tpu.memory_space<vmem>> -> memref<1x125xi32, #tpu.memory_space<vmem>>
        %dma_start3A_53 = tpu.memref_squeeze %dma_start3A_52 : memref<1x125xi32, #tpu.memory_space<vmem>> -> memref<125xi32, #tpu.memory_space<vmem>>
        %dma_start3A_54 = arith.constant 0 : i32
        %dma_start3A_55 = arith.constant 0 : i32
        %dma_start3A_56 = tpu.memref_slice %arg11[%dma_start3A_54, %dma_start3A_55] : memref<10112x64xf32, #tpu.memory_space<vmem_shared>> -> memref<10112x64xf32, #tpu.memory_space<vmem_shared>>
        tpu.enqueue_indirect_dma source(%arg9 : memref<125x64xf32, #tpu.memory_space<vmem>>) target(%dma_start3A_56 : memref<10112x64xf32, #tpu.memory_space<vmem_shared>>) offsets(%dma_start3A_53 : memref<125xi32, #tpu.memory_space<vmem>>) semaphore(%run_scoped3A : memref<!tpu.dma_semaphore, #tpu.memory_space<semaphore_mem>>) {add = true}
        %dma_wait3A_57 = arith.constant 0 : i32
        %dma_wait3A_58 = tpu.memref_slice %arg8[%mul3A_24, %dma_wait3A_57] : memref<80x125xi32, #tpu.memory_space<vmem>> -> memref<1x125xi32, #tpu.memory_space<vmem>>
        %dma_wait3A_59 = tpu.memref_squeeze %dma_wait3A_58 : memref<1x125xi32, #tpu.memory_space<vmem>> -> memref<125xi32, #tpu.memory_space<vmem>>
        %dma_wait3A_60 = arith.constant 0 : i32
        %dma_wait3A_61 = arith.constant 0 : i32
        %dma_wait3A_62 = tpu.memref_slice %arg11[%dma_wait3A_60, %dma_wait3A_61] : memref<10112x64xf32, #tpu.memory_space<vmem_shared>> -> memref<10112x64xf32, #tpu.memory_space<vmem_shared>>
        tpu.wait_indirect_dma semaphore(%run_scoped3A : memref<!tpu.dma_semaphore, #tpu.memory_space<semaphore_mem>>) src(%arg9 : memref<125x64xf32, #tpu.memory_space<vmem>>) dst(%dma_wait3A_62 : memref<10112x64xf32, #tpu.memory_space<vmem_shared>>)
        tpu.yield
      }) : () -> ()
      %add3A_30 = arith.constant 2 : i32
      %add3A_31 = arith.addi %mul3A_24, %add3A_30 : i32
      %lt3A = arith.constant 80 : i32
      %lt3A_32 = arith.cmpi slt, %add3A_31, %lt3A : i32
      %convert_element_type3A = arith.extui %lt3A_32 : i1 to i32
      %cond3A = arith.constant 0 : i32
      %cond3A_33 = arith.cmpi ne, %convert_element_type3A, %cond3A : i32
      scf.if %cond3A_33 {
        %add3A_51 = arith.constant 2 : i32
        %add3A_52 = arith.addi %mul3A_24, %add3A_51 : i32
        %dma_start3A_53 = arith.constant 0 : i32
        %dma_start3A_54 = tpu.memref_slice %arg7[%add3A_52, %dma_start3A_53] : memref<80x125xi32, #tpu.memory_space<vmem>> -> memref<1x125xi32, #tpu.memory_space<vmem>>
        %dma_start3A_55 = tpu.memref_squeeze %dma_start3A_54 : memref<1x125xi32, #tpu.memory_space<vmem>> -> memref<125xi32, #tpu.memory_space<vmem>>
        %dma_start3A_56 = arith.constant 0 : i32
        %dma_start3A_57 = arith.constant 0 : i32
        %dma_start3A_58 = tpu.memref_slice %arg2[%dma_start3A_56, %dma_start3A_57] : memref<10000x64xf32, #tpu.memory_space<hbm>> -> memref<10000x64xf32, #tpu.memory_space<hbm>>
        tpu.enqueue_indirect_dma source(%dma_start3A_58 : memref<10000x64xf32, #tpu.memory_space<hbm>>) target(%arg9 : memref<125x64xf32, #tpu.memory_space<vmem>>) offsets(%dma_start3A_55 : memref<125xi32, #tpu.memory_space<vmem>>) semaphore(%arg12 : memref<!tpu.dma_semaphore, #tpu.memory_space<semaphore_mem>>)
      } else {
      }
      %add3A_34 = arith.constant 1 : i32
      %add3A_35 = arith.addi %mul3A_24, %add3A_34 : i32
      %dma_wait3A_36 = arith.constant 0 : i32
      %dma_wait3A_37 = tpu.memref_slice %arg7[%add3A_35, %dma_wait3A_36] : memref<80x125xi32, #tpu.memory_space<vmem>> -> memref<1x125xi32, #tpu.memory_space<vmem>>
      %dma_wait3A_38 = tpu.memref_squeeze %dma_wait3A_37 : memref<1x125xi32, #tpu.memory_space<vmem>> -> memref<125xi32, #tpu.memory_space<vmem>>
      %dma_wait3A_39 = arith.constant 0 : i32
      %dma_wait3A_40 = arith.constant 0 : i32
      %dma_wait3A_41 = tpu.memref_slice %arg2[%dma_wait3A_39, %dma_wait3A_40] : memref<10000x64xf32, #tpu.memory_space<hbm>> -> memref<10000x64xf32, #tpu.memory_space<hbm>>
      tpu.wait_indirect_dma semaphore(%arg13 : memref<!tpu.dma_semaphore, #tpu.memory_space<semaphore_mem>>) src(%dma_wait3A_41 : memref<10000x64xf32, #tpu.memory_space<hbm>>) dst(%arg10 : memref<125x64xf32, #tpu.memory_space<vmem>>)
      %add3A_42 = arith.constant 1 : i32
      %add3A_43 = arith.addi %mul3A_24, %add3A_42 : i32
      "tpu.region"() ({
        %run_scoped3A = tpu.sem_alloc : memref<!tpu.dma_semaphore, #tpu.memory_space<semaphore_mem>>
        %dma_start3A_51 = arith.constant 0 : i32
        %dma_start3A_52 = tpu.memref_slice %arg8[%add3A_43, %dma_start3A_51] : memref<80x125xi32, #tpu.memory_space<vmem>> -> memref<1x125xi32, #tpu.memory_space<vmem>>
        %dma_start3A_53 = tpu.memref_squeeze %dma_start3A_52 : memref<1x125xi32, #tpu.memory_space<vmem>> -> memref<125xi32, #tpu.memory_space<vmem>>
        %dma_start3A_54 = arith.constant 0 : i32
        %dma_start3A_55 = arith.constant 0 : i32
        %dma_start3A_56 = tpu.memref_slice %arg11[%dma_start3A_54, %dma_start3A_55] : memref<10112x64xf32, #tpu.memory_space<vmem_shared>> -> memref<10112x64xf32, #tpu.memory_space<vmem_shared>>
        tpu.enqueue_indirect_dma source(%arg10 : memref<125x64xf32, #tpu.memory_space<vmem>>) target(%dma_start3A_56 : memref<10112x64xf32, #tpu.memory_space<vmem_shared>>) offsets(%dma_start3A_53 : memref<125xi32, #tpu.memory_space<vmem>>) semaphore(%run_scoped3A : memref<!tpu.dma_semaphore, #tpu.memory_space<semaphore_mem>>) {add = true}
        %dma_wait3A_57 = arith.constant 0 : i32
        %dma_wait3A_58 = tpu.memref_slice %arg8[%add3A_43, %dma_wait3A_57] : memref<80x125xi32, #tpu.memory_space<vmem>> -> memref<1x125xi32, #tpu.memory_space<vmem>>
        %dma_wait3A_59 = tpu.memref_squeeze %dma_wait3A_58 : memref<1x125xi32, #tpu.memory_space<vmem>> -> memref<125xi32, #tpu.memory_space<vmem>>
        %dma_wait3A_60 = arith.constant 0 : i32
        %dma_wait3A_61 = arith.constant 0 : i32
        %dma_wait3A_62 = tpu.memref_slice %arg11[%dma_wait3A_60, %dma_wait3A_61] : memref<10112x64xf32, #tpu.memory_space<vmem_shared>> -> memref<10112x64xf32, #tpu.memory_space<vmem_shared>>
        tpu.wait_indirect_dma semaphore(%run_scoped3A : memref<!tpu.dma_semaphore, #tpu.memory_space<semaphore_mem>>) src(%arg10 : memref<125x64xf32, #tpu.memory_space<vmem>>) dst(%dma_wait3A_62 : memref<10112x64xf32, #tpu.memory_space<vmem_shared>>)
        tpu.yield
      }) : () -> ()
      %add3A_44 = arith.constant 3 : i32
      %add3A_45 = arith.addi %mul3A_24, %add3A_44 : i32
      %lt3A_46 = arith.constant 80 : i32
      %lt3A_47 = arith.cmpi slt, %add3A_45, %lt3A_46 : i32
      %convert_element_type3A_48 = arith.extui %lt3A_47 : i1 to i32
      %cond3A_49 = arith.constant 0 : i32
      %cond3A_50 = arith.cmpi ne, %convert_element_type3A_48, %cond3A_49 : i32
      scf.if %cond3A_50 {
        %add3A_51 = arith.constant 3 : i32
        %add3A_52 = arith.addi %mul3A_24, %add3A_51 : i32
        %dma_start3A_53 = arith.constant 0 : i32
        %dma_start3A_54 = tpu.memref_slice %arg7[%add3A_52, %dma_start3A_53] : memref<80x125xi32, #tpu.memory_space<vmem>> -> memref<1x125xi32, #tpu.memory_space<vmem>>
        %dma_start3A_55 = tpu.memref_squeeze %dma_start3A_54 : memref<1x125xi32, #tpu.memory_space<vmem>> -> memref<125xi32, #tpu.memory_space<vmem>>
        %dma_start3A_56 = arith.constant 0 : i32
        %dma_start3A_57 = arith.constant 0 : i32
        %dma_start3A_58 = tpu.memref_slice %arg2[%dma_start3A_56, %dma_start3A_57] : memref<10000x64xf32, #tpu.memory_space<hbm>> -> memref<10000x64xf32, #tpu.memory_space<hbm>>
        tpu.enqueue_indirect_dma source(%dma_start3A_58 : memref<10000x64xf32, #tpu.memory_space<hbm>>) target(%arg10 : memref<125x64xf32, #tpu.memory_space<vmem>>) offsets(%dma_start3A_55 : memref<125xi32, #tpu.memory_space<vmem>>) semaphore(%arg13 : memref<!tpu.dma_semaphore, #tpu.memory_space<semaphore_mem>>)
      } else {
      }
    }
    %scan3A_20 = arith.constant 40 : i32
    %barrier3A_21 = arith.constant 0 : index
    tpu.barrier barrier_id(%barrier3A_21)
    "tpu.region"() ({
      %run_scoped3A = tpu.sem_alloc : memref<!tpu.dma_semaphore, #tpu.memory_space<semaphore_mem>>
      %dma_start3A_22 = arith.constant 0 : i32
      %dma_start3A_23 = arith.constant 0 : i32
      %dma_start3A_24 = tpu.memref_slice %arg6[%arg0, %dma_start3A_22, %dma_start3A_23] : memref<2x10112x64xf32, #tpu.memory_space<hbm>> -> memref<1x10112x64xf32, #tpu.memory_space<hbm>>
      %dma_start3A_25 = tpu.memref_squeeze %dma_start3A_24 : memref<1x10112x64xf32, #tpu.memory_space<hbm>> -> memref<10112x64xf32, #tpu.memory_space<hbm>>
      %dma_start3A_26 = arith.constant 0 : i32
      %dma_start3A_27 = tpu.memref_slice %dma_start3A_25[%mul3A_2, %dma_start3A_26] : memref<10112x64xf32, #tpu.memory_space<hbm>> -> memref<632x64xf32, #tpu.memory_space<hbm>>
      %dma_start3A_28 = arith.constant 0 : i32
      %dma_start3A_29 = tpu.memref_slice %arg11[%mul3A_2, %dma_start3A_28] : memref<10112x64xf32, #tpu.memory_space<vmem_shared>> -> memref<632x64xf32, #tpu.memory_space<vmem_shared>>
      tpu.enqueue_dma source(%dma_start3A_29 : memref<632x64xf32, #tpu.memory_space<vmem_shared>>) target(%dma_start3A_27 : memref<632x64xf32, #tpu.memory_space<hbm>>) target_semaphore(%run_scoped3A : memref<!tpu.dma_semaphore, #tpu.memory_space<semaphore_mem>>)
      %dma_wait3A = arith.constant 0 : i32
      %dma_wait3A_30 = arith.constant 0 : i32
      %dma_wait3A_31 = tpu.memref_slice %arg6[%arg0, %dma_wait3A, %dma_wait3A_30] : memref<2x10112x64xf32, #tpu.memory_space<hbm>> -> memref<1x10112x64xf32, #tpu.memory_space<hbm>>
      %dma_wait3A_32 = tpu.memref_squeeze %dma_wait3A_31 : memref<1x10112x64xf32, #tpu.memory_space<hbm>> -> memref<10112x64xf32, #tpu.memory_space<hbm>>
      %dma_wait3A_33 = arith.constant 0 : i32
      %dma_wait3A_34 = tpu.memref_slice %dma_wait3A_32[%mul3A_2, %dma_wait3A_33] : memref<10112x64xf32, #tpu.memory_space<hbm>> -> memref<632x64xf32, #tpu.memory_space<hbm>>
      %dma_wait3A_35 = arith.constant 0 : i32
      %dma_wait3A_36 = tpu.memref_slice %arg11[%mul3A_2, %dma_wait3A_35] : memref<10112x64xf32, #tpu.memory_space<vmem_shared>> -> memref<632x64xf32, #tpu.memory_space<vmem_shared>>
      tpu.wait_dma2 semaphore(%run_scoped3A : memref<!tpu.dma_semaphore, #tpu.memory_space<semaphore_mem>>) src(%dma_wait3A_36 : memref<632x64xf32, #tpu.memory_space<vmem_shared>>) dst(%dma_wait3A_34 : memref<632x64xf32, #tpu.memory_space<hbm>>)
      tpu.yield
    }) : () -> ()
    return
  }
}

#map = affine_map<(d0, d1) -> (0, 0)>
#map1 = affine_map<(d0, d1) -> (0, 0, 0)>
module attributes {stable_mosaic.version = 14 : i64} {
  func.func @fn(%arg0: i32, %arg1: i32, %arg2: memref<10000x128xf32, #tpu.memory_space<hbm>>, %arg3: memref<32x100x100xi32, #tpu.memory_space<hbm>>, %arg4: memref<32x100x100xi32, #tpu.memory_space<hbm>>, %arg5: memref<632x128xf32, #tpu.memory_space<hbm>>, %arg6: memref<2x10112x128xf32, #tpu.memory_space<hbm>>, %arg7: memref<100x100xi32, #tpu.memory_space<vmem>>, %arg8: memref<100x100xi32, #tpu.memory_space<vmem>>, %arg9: memref<100x128xf32, #tpu.memory_space<vmem>>, %arg10: memref<100x128xf32, #tpu.memory_space<vmem>>, %arg11: memref<10112x128xf32, #tpu.memory_space<vmem_shared>>, %arg12: memref<!tpu.dma_semaphore, #tpu.memory_space<semaphore_mem>>, %arg13: memref<!tpu.dma_semaphore, #tpu.memory_space<semaphore_mem>>) attributes {dimension_semantics = [#tpu.dimension_semantics<core_parallel>, #tpu.dimension_semantics<subcore_parallel>], iteration_bounds = array<i64: 2, 16>, scalar_prefetch = 0 : i64, scratch_operands = 7 : i64, tpu.core_type = #tpu.core_type<sc_vector_subcore>, window_params = [{transform_indices = #map}, {transform_indices = #map1}, {transform_indices = #map1}, {transform_indices = #map}, {transform_indices = #map1}]} {
    %mul3A = arith.constant 16 : i32
    %mul3A_0 = arith.muli %arg0, %mul3A : i32
    %add3A = arith.addi %mul3A_0, %arg1 : i32
    %mul3A_1 = arith.constant 632 : i32
    %mul3A_2 = arith.muli %arg1, %mul3A_1 : i32
    "tpu.region"() ({
      %run_scoped3A = tpu.sem_alloc : memref<!tpu.dma_semaphore, #tpu.memory_space<semaphore_mem>>
      %dma_start3A_22 = arith.constant 0 : i32
      %dma_start3A_23 = tpu.memref_slice %arg11[%mul3A_2, %dma_start3A_22] : memref<10112x128xf32, #tpu.memory_space<vmem_shared>> -> memref<632x128xf32, #tpu.memory_space<vmem_shared>>
      tpu.enqueue_dma source(%arg5 : memref<632x128xf32, #tpu.memory_space<hbm>>) target(%dma_start3A_23 : memref<632x128xf32, #tpu.memory_space<vmem_shared>>) target_semaphore(%run_scoped3A : memref<!tpu.dma_semaphore, #tpu.memory_space<semaphore_mem>>)
      %dma_wait3A = arith.constant 0 : i32
      %dma_wait3A_24 = tpu.memref_slice %arg11[%mul3A_2, %dma_wait3A] : memref<10112x128xf32, #tpu.memory_space<vmem_shared>> -> memref<632x128xf32, #tpu.memory_space<vmem_shared>>
      tpu.wait_dma2 semaphore(%run_scoped3A : memref<!tpu.dma_semaphore, #tpu.memory_space<semaphore_mem>>) src(%arg5 : memref<632x128xf32, #tpu.memory_space<hbm>>) dst(%dma_wait3A_24 : memref<632x128xf32, #tpu.memory_space<vmem_shared>>)
      tpu.yield
    }) : () -> ()
    "tpu.region"() ({
      %run_scoped3A = tpu.sem_alloc : memref<!tpu.dma_semaphore, #tpu.memory_space<semaphore_mem>>
      %dma_start3A_22 = arith.constant 0 : i32
      %dma_start3A_23 = arith.constant 0 : i32
      %dma_start3A_24 = tpu.memref_slice %arg3[%add3A, %dma_start3A_22, %dma_start3A_23] : memref<32x100x100xi32, #tpu.memory_space<hbm>> -> memref<1x100x100xi32, #tpu.memory_space<hbm>>
      %dma_start3A_25 = tpu.memref_squeeze %dma_start3A_24 : memref<1x100x100xi32, #tpu.memory_space<hbm>> -> memref<100x100xi32, #tpu.memory_space<hbm>>
      %dma_start3A_26 = arith.constant 0 : i32
      %dma_start3A_27 = arith.constant 0 : i32
      %dma_start3A_28 = tpu.memref_slice %arg3[%add3A, %dma_start3A_26, %dma_start3A_27] : memref<32x100x100xi32, #tpu.memory_space<hbm>> -> memref<1x100x100xi32, #tpu.memory_space<hbm>>
      %dma_start3A_29 = tpu.memref_squeeze %dma_start3A_28 : memref<1x100x100xi32, #tpu.memory_space<hbm>> -> memref<100x100xi32, #tpu.memory_space<hbm>>
      tpu.enqueue_dma source(%dma_start3A_29 : memref<100x100xi32, #tpu.memory_space<hbm>>) target(%arg7 : memref<100x100xi32, #tpu.memory_space<vmem>>) target_semaphore(%run_scoped3A : memref<!tpu.dma_semaphore, #tpu.memory_space<semaphore_mem>>)
      %dma_wait3A = arith.constant 0 : i32
      %dma_wait3A_30 = arith.constant 0 : i32
      %dma_wait3A_31 = tpu.memref_slice %arg3[%add3A, %dma_wait3A, %dma_wait3A_30] : memref<32x100x100xi32, #tpu.memory_space<hbm>> -> memref<1x100x100xi32, #tpu.memory_space<hbm>>
      %dma_wait3A_32 = tpu.memref_squeeze %dma_wait3A_31 : memref<1x100x100xi32, #tpu.memory_space<hbm>> -> memref<100x100xi32, #tpu.memory_space<hbm>>
      %dma_wait3A_33 = arith.constant 0 : i32
      %dma_wait3A_34 = arith.constant 0 : i32
      %dma_wait3A_35 = tpu.memref_slice %arg3[%add3A, %dma_wait3A_33, %dma_wait3A_34] : memref<32x100x100xi32, #tpu.memory_space<hbm>> -> memref<1x100x100xi32, #tpu.memory_space<hbm>>
      %dma_wait3A_36 = tpu.memref_squeeze %dma_wait3A_35 : memref<1x100x100xi32, #tpu.memory_space<hbm>> -> memref<100x100xi32, #tpu.memory_space<hbm>>
      tpu.wait_dma2 semaphore(%run_scoped3A : memref<!tpu.dma_semaphore, #tpu.memory_space<semaphore_mem>>) src(%dma_wait3A_36 : memref<100x100xi32, #tpu.memory_space<hbm>>) dst(%arg7 : memref<100x100xi32, #tpu.memory_space<vmem>>)
      tpu.yield
    }) : () -> ()
    "tpu.region"() ({
      %run_scoped3A = tpu.sem_alloc : memref<!tpu.dma_semaphore, #tpu.memory_space<semaphore_mem>>
      %dma_start3A_22 = arith.constant 0 : i32
      %dma_start3A_23 = arith.constant 0 : i32
      %dma_start3A_24 = tpu.memref_slice %arg4[%add3A, %dma_start3A_22, %dma_start3A_23] : memref<32x100x100xi32, #tpu.memory_space<hbm>> -> memref<1x100x100xi32, #tpu.memory_space<hbm>>
      %dma_start3A_25 = tpu.memref_squeeze %dma_start3A_24 : memref<1x100x100xi32, #tpu.memory_space<hbm>> -> memref<100x100xi32, #tpu.memory_space<hbm>>
      %dma_start3A_26 = arith.constant 0 : i32
      %dma_start3A_27 = arith.constant 0 : i32
      %dma_start3A_28 = tpu.memref_slice %arg4[%add3A, %dma_start3A_26, %dma_start3A_27] : memref<32x100x100xi32, #tpu.memory_space<hbm>> -> memref<1x100x100xi32, #tpu.memory_space<hbm>>
      %dma_start3A_29 = tpu.memref_squeeze %dma_start3A_28 : memref<1x100x100xi32, #tpu.memory_space<hbm>> -> memref<100x100xi32, #tpu.memory_space<hbm>>
      tpu.enqueue_dma source(%dma_start3A_29 : memref<100x100xi32, #tpu.memory_space<hbm>>) target(%arg8 : memref<100x100xi32, #tpu.memory_space<vmem>>) target_semaphore(%run_scoped3A : memref<!tpu.dma_semaphore, #tpu.memory_space<semaphore_mem>>)
      %dma_wait3A = arith.constant 0 : i32
      %dma_wait3A_30 = arith.constant 0 : i32
      %dma_wait3A_31 = tpu.memref_slice %arg4[%add3A, %dma_wait3A, %dma_wait3A_30] : memref<32x100x100xi32, #tpu.memory_space<hbm>> -> memref<1x100x100xi32, #tpu.memory_space<hbm>>
      %dma_wait3A_32 = tpu.memref_squeeze %dma_wait3A_31 : memref<1x100x100xi32, #tpu.memory_space<hbm>> -> memref<100x100xi32, #tpu.memory_space<hbm>>
      %dma_wait3A_33 = arith.constant 0 : i32
      %dma_wait3A_34 = arith.constant 0 : i32
      %dma_wait3A_35 = tpu.memref_slice %arg4[%add3A, %dma_wait3A_33, %dma_wait3A_34] : memref<32x100x100xi32, #tpu.memory_space<hbm>> -> memref<1x100x100xi32, #tpu.memory_space<hbm>>
      %dma_wait3A_36 = tpu.memref_squeeze %dma_wait3A_35 : memref<1x100x100xi32, #tpu.memory_space<hbm>> -> memref<100x100xi32, #tpu.memory_space<hbm>>
      tpu.wait_dma2 semaphore(%run_scoped3A : memref<!tpu.dma_semaphore, #tpu.memory_space<semaphore_mem>>) src(%dma_wait3A_36 : memref<100x100xi32, #tpu.memory_space<hbm>>) dst(%arg8 : memref<100x100xi32, #tpu.memory_space<vmem>>)
      tpu.yield
    }) : () -> ()
    %barrier3A = arith.constant 0 : index
    tpu.barrier barrier_id(%barrier3A)
    %dma_start3A = arith.constant 0 : i32
    %dma_start3A_3 = arith.constant 0 : i32
    %dma_start3A_4 = tpu.memref_slice %arg7[%dma_start3A, %dma_start3A_3] : memref<100x100xi32, #tpu.memory_space<vmem>> -> memref<1x100xi32, #tpu.memory_space<vmem>>
    %dma_start3A_5 = tpu.memref_squeeze %dma_start3A_4 : memref<1x100xi32, #tpu.memory_space<vmem>> -> memref<100xi32, #tpu.memory_space<vmem>>
    %dma_start3A_6 = arith.constant 0 : i32
    %dma_start3A_7 = arith.constant 0 : i32
    %dma_start3A_8 = tpu.memref_slice %arg2[%dma_start3A_6, %dma_start3A_7] : memref<10000x128xf32, #tpu.memory_space<hbm>> -> memref<10000x128xf32, #tpu.memory_space<hbm>>
    tpu.enqueue_indirect_dma source(%dma_start3A_8 : memref<10000x128xf32, #tpu.memory_space<hbm>>) target(%arg9 : memref<100x128xf32, #tpu.memory_space<vmem>>) offsets(%dma_start3A_5 : memref<100xi32, #tpu.memory_space<vmem>>) semaphore(%arg12 : memref<!tpu.dma_semaphore, #tpu.memory_space<semaphore_mem>>)
    %dma_start3A_9 = arith.constant 1 : i32
    %dma_start3A_10 = arith.constant 0 : i32
    %dma_start3A_11 = tpu.memref_slice %arg7[%dma_start3A_9, %dma_start3A_10] : memref<100x100xi32, #tpu.memory_space<vmem>> -> memref<1x100xi32, #tpu.memory_space<vmem>>
    %dma_start3A_12 = tpu.memref_squeeze %dma_start3A_11 : memref<1x100xi32, #tpu.memory_space<vmem>> -> memref<100xi32, #tpu.memory_space<vmem>>
    %dma_start3A_13 = arith.constant 0 : i32
    %dma_start3A_14 = arith.constant 0 : i32
    %dma_start3A_15 = tpu.memref_slice %arg2[%dma_start3A_13, %dma_start3A_14] : memref<10000x128xf32, #tpu.memory_space<hbm>> -> memref<10000x128xf32, #tpu.memory_space<hbm>>
    tpu.enqueue_indirect_dma source(%dma_start3A_15 : memref<10000x128xf32, #tpu.memory_space<hbm>>) target(%arg10 : memref<100x128xf32, #tpu.memory_space<vmem>>) offsets(%dma_start3A_12 : memref<100xi32, #tpu.memory_space<vmem>>) semaphore(%arg13 : memref<!tpu.dma_semaphore, #tpu.memory_space<semaphore_mem>>)
    %scan3A = arith.constant 0 : i32
    %scan3A_16 = arith.constant 0 : i32
    %scan3A_17 = arith.constant 50 : i32
    %scan3A_18 = arith.addi %scan3A_16, %scan3A_17 : i32
    %scan3A_19 = arith.constant 1 : i32
    scf.for %scan3A_22 = %scan3A_16 to %scan3A_18 step %scan3A_19  : i32 {
      %mul3A_23 = arith.constant 2 : i32
      %mul3A_24 = arith.muli %mul3A_23, %scan3A_22 : i32
      %dma_wait3A = arith.constant 0 : i32
      %dma_wait3A_25 = tpu.memref_slice %arg7[%mul3A_24, %dma_wait3A] : memref<100x100xi32, #tpu.memory_space<vmem>> -> memref<1x100xi32, #tpu.memory_space<vmem>>
      %dma_wait3A_26 = tpu.memref_squeeze %dma_wait3A_25 : memref<1x100xi32, #tpu.memory_space<vmem>> -> memref<100xi32, #tpu.memory_space<vmem>>
      %dma_wait3A_27 = arith.constant 0 : i32
      %dma_wait3A_28 = arith.constant 0 : i32
      %dma_wait3A_29 = tpu.memref_slice %arg2[%dma_wait3A_27, %dma_wait3A_28] : memref<10000x128xf32, #tpu.memory_space<hbm>> -> memref<10000x128xf32, #tpu.memory_space<hbm>>
      tpu.wait_indirect_dma semaphore(%arg12 : memref<!tpu.dma_semaphore, #tpu.memory_space<semaphore_mem>>) src(%dma_wait3A_29 : memref<10000x128xf32, #tpu.memory_space<hbm>>) dst(%arg9 : memref<100x128xf32, #tpu.memory_space<vmem>>)
      "tpu.region"() ({
        %run_scoped3A = tpu.sem_alloc : memref<!tpu.dma_semaphore, #tpu.memory_space<semaphore_mem>>
        %dma_start3A_51 = arith.constant 0 : i32
        %dma_start3A_52 = tpu.memref_slice %arg8[%mul3A_24, %dma_start3A_51] : memref<100x100xi32, #tpu.memory_space<vmem>> -> memref<1x100xi32, #tpu.memory_space<vmem>>
        %dma_start3A_53 = tpu.memref_squeeze %dma_start3A_52 : memref<1x100xi32, #tpu.memory_space<vmem>> -> memref<100xi32, #tpu.memory_space<vmem>>
        %dma_start3A_54 = arith.constant 0 : i32
        %dma_start3A_55 = arith.constant 0 : i32
        %dma_start3A_56 = tpu.memref_slice %arg11[%dma_start3A_54, %dma_start3A_55] : memref<10112x128xf32, #tpu.memory_space<vmem_shared>> -> memref<10112x128xf32, #tpu.memory_space<vmem_shared>>
        tpu.enqueue_indirect_dma source(%arg9 : memref<100x128xf32, #tpu.memory_space<vmem>>) target(%dma_start3A_56 : memref<10112x128xf32, #tpu.memory_space<vmem_shared>>) offsets(%dma_start3A_53 : memref<100xi32, #tpu.memory_space<vmem>>) semaphore(%run_scoped3A : memref<!tpu.dma_semaphore, #tpu.memory_space<semaphore_mem>>) {add = true}
        %dma_wait3A_57 = arith.constant 0 : i32
        %dma_wait3A_58 = tpu.memref_slice %arg8[%mul3A_24, %dma_wait3A_57] : memref<100x100xi32, #tpu.memory_space<vmem>> -> memref<1x100xi32, #tpu.memory_space<vmem>>
        %dma_wait3A_59 = tpu.memref_squeeze %dma_wait3A_58 : memref<1x100xi32, #tpu.memory_space<vmem>> -> memref<100xi32, #tpu.memory_space<vmem>>
        %dma_wait3A_60 = arith.constant 0 : i32
        %dma_wait3A_61 = arith.constant 0 : i32
        %dma_wait3A_62 = tpu.memref_slice %arg11[%dma_wait3A_60, %dma_wait3A_61] : memref<10112x128xf32, #tpu.memory_space<vmem_shared>> -> memref<10112x128xf32, #tpu.memory_space<vmem_shared>>
        tpu.wait_indirect_dma semaphore(%run_scoped3A : memref<!tpu.dma_semaphore, #tpu.memory_space<semaphore_mem>>) src(%arg9 : memref<100x128xf32, #tpu.memory_space<vmem>>) dst(%dma_wait3A_62 : memref<10112x128xf32, #tpu.memory_space<vmem_shared>>)
        tpu.yield
      }) : () -> ()
      %add3A_30 = arith.constant 2 : i32
      %add3A_31 = arith.addi %mul3A_24, %add3A_30 : i32
      %lt3A = arith.constant 100 : i32
      %lt3A_32 = arith.cmpi slt, %add3A_31, %lt3A : i32
      %convert_element_type3A = arith.extui %lt3A_32 : i1 to i32
      %cond3A = arith.constant 0 : i32
      %cond3A_33 = arith.cmpi ne, %convert_element_type3A, %cond3A : i32
      scf.if %cond3A_33 {
        %add3A_51 = arith.constant 2 : i32
        %add3A_52 = arith.addi %mul3A_24, %add3A_51 : i32
        %dma_start3A_53 = arith.constant 0 : i32
        %dma_start3A_54 = tpu.memref_slice %arg7[%add3A_52, %dma_start3A_53] : memref<100x100xi32, #tpu.memory_space<vmem>> -> memref<1x100xi32, #tpu.memory_space<vmem>>
        %dma_start3A_55 = tpu.memref_squeeze %dma_start3A_54 : memref<1x100xi32, #tpu.memory_space<vmem>> -> memref<100xi32, #tpu.memory_space<vmem>>
        %dma_start3A_56 = arith.constant 0 : i32
        %dma_start3A_57 = arith.constant 0 : i32
        %dma_start3A_58 = tpu.memref_slice %arg2[%dma_start3A_56, %dma_start3A_57] : memref<10000x128xf32, #tpu.memory_space<hbm>> -> memref<10000x128xf32, #tpu.memory_space<hbm>>
        tpu.enqueue_indirect_dma source(%dma_start3A_58 : memref<10000x128xf32, #tpu.memory_space<hbm>>) target(%arg9 : memref<100x128xf32, #tpu.memory_space<vmem>>) offsets(%dma_start3A_55 : memref<100xi32, #tpu.memory_space<vmem>>) semaphore(%arg12 : memref<!tpu.dma_semaphore, #tpu.memory_space<semaphore_mem>>)
      } else {
      }
      %add3A_34 = arith.constant 1 : i32
      %add3A_35 = arith.addi %mul3A_24, %add3A_34 : i32
      %dma_wait3A_36 = arith.constant 0 : i32
      %dma_wait3A_37 = tpu.memref_slice %arg7[%add3A_35, %dma_wait3A_36] : memref<100x100xi32, #tpu.memory_space<vmem>> -> memref<1x100xi32, #tpu.memory_space<vmem>>
      %dma_wait3A_38 = tpu.memref_squeeze %dma_wait3A_37 : memref<1x100xi32, #tpu.memory_space<vmem>> -> memref<100xi32, #tpu.memory_space<vmem>>
      %dma_wait3A_39 = arith.constant 0 : i32
      %dma_wait3A_40 = arith.constant 0 : i32
      %dma_wait3A_41 = tpu.memref_slice %arg2[%dma_wait3A_39, %dma_wait3A_40] : memref<10000x128xf32, #tpu.memory_space<hbm>> -> memref<10000x128xf32, #tpu.memory_space<hbm>>
      tpu.wait_indirect_dma semaphore(%arg13 : memref<!tpu.dma_semaphore, #tpu.memory_space<semaphore_mem>>) src(%dma_wait3A_41 : memref<10000x128xf32, #tpu.memory_space<hbm>>) dst(%arg10 : memref<100x128xf32, #tpu.memory_space<vmem>>)
      %add3A_42 = arith.constant 1 : i32
      %add3A_43 = arith.addi %mul3A_24, %add3A_42 : i32
      "tpu.region"() ({
        %run_scoped3A = tpu.sem_alloc : memref<!tpu.dma_semaphore, #tpu.memory_space<semaphore_mem>>
        %dma_start3A_51 = arith.constant 0 : i32
        %dma_start3A_52 = tpu.memref_slice %arg8[%add3A_43, %dma_start3A_51] : memref<100x100xi32, #tpu.memory_space<vmem>> -> memref<1x100xi32, #tpu.memory_space<vmem>>
        %dma_start3A_53 = tpu.memref_squeeze %dma_start3A_52 : memref<1x100xi32, #tpu.memory_space<vmem>> -> memref<100xi32, #tpu.memory_space<vmem>>
        %dma_start3A_54 = arith.constant 0 : i32
        %dma_start3A_55 = arith.constant 0 : i32
        %dma_start3A_56 = tpu.memref_slice %arg11[%dma_start3A_54, %dma_start3A_55] : memref<10112x128xf32, #tpu.memory_space<vmem_shared>> -> memref<10112x128xf32, #tpu.memory_space<vmem_shared>>
        tpu.enqueue_indirect_dma source(%arg10 : memref<100x128xf32, #tpu.memory_space<vmem>>) target(%dma_start3A_56 : memref<10112x128xf32, #tpu.memory_space<vmem_shared>>) offsets(%dma_start3A_53 : memref<100xi32, #tpu.memory_space<vmem>>) semaphore(%run_scoped3A : memref<!tpu.dma_semaphore, #tpu.memory_space<semaphore_mem>>) {add = true}
        %dma_wait3A_57 = arith.constant 0 : i32
        %dma_wait3A_58 = tpu.memref_slice %arg8[%add3A_43, %dma_wait3A_57] : memref<100x100xi32, #tpu.memory_space<vmem>> -> memref<1x100xi32, #tpu.memory_space<vmem>>
        %dma_wait3A_59 = tpu.memref_squeeze %dma_wait3A_58 : memref<1x100xi32, #tpu.memory_space<vmem>> -> memref<100xi32, #tpu.memory_space<vmem>>
        %dma_wait3A_60 = arith.constant 0 : i32
        %dma_wait3A_61 = arith.constant 0 : i32
        %dma_wait3A_62 = tpu.memref_slice %arg11[%dma_wait3A_60, %dma_wait3A_61] : memref<10112x128xf32, #tpu.memory_space<vmem_shared>> -> memref<10112x128xf32, #tpu.memory_space<vmem_shared>>
        tpu.wait_indirect_dma semaphore(%run_scoped3A : memref<!tpu.dma_semaphore, #tpu.memory_space<semaphore_mem>>) src(%arg10 : memref<100x128xf32, #tpu.memory_space<vmem>>) dst(%dma_wait3A_62 : memref<10112x128xf32, #tpu.memory_space<vmem_shared>>)
        tpu.yield
      }) : () -> ()
      %add3A_44 = arith.constant 3 : i32
      %add3A_45 = arith.addi %mul3A_24, %add3A_44 : i32
      %lt3A_46 = arith.constant 100 : i32
      %lt3A_47 = arith.cmpi slt, %add3A_45, %lt3A_46 : i32
      %convert_element_type3A_48 = arith.extui %lt3A_47 : i1 to i32
      %cond3A_49 = arith.constant 0 : i32
      %cond3A_50 = arith.cmpi ne, %convert_element_type3A_48, %cond3A_49 : i32
      scf.if %cond3A_50 {
        %add3A_51 = arith.constant 3 : i32
        %add3A_52 = arith.addi %mul3A_24, %add3A_51 : i32
        %dma_start3A_53 = arith.constant 0 : i32
        %dma_start3A_54 = tpu.memref_slice %arg7[%add3A_52, %dma_start3A_53] : memref<100x100xi32, #tpu.memory_space<vmem>> -> memref<1x100xi32, #tpu.memory_space<vmem>>
        %dma_start3A_55 = tpu.memref_squeeze %dma_start3A_54 : memref<1x100xi32, #tpu.memory_space<vmem>> -> memref<100xi32, #tpu.memory_space<vmem>>
        %dma_start3A_56 = arith.constant 0 : i32
        %dma_start3A_57 = arith.constant 0 : i32
        %dma_start3A_58 = tpu.memref_slice %arg2[%dma_start3A_56, %dma_start3A_57] : memref<10000x128xf32, #tpu.memory_space<hbm>> -> memref<10000x128xf32, #tpu.memory_space<hbm>>
        tpu.enqueue_indirect_dma source(%dma_start3A_58 : memref<10000x128xf32, #tpu.memory_space<hbm>>) target(%arg10 : memref<100x128xf32, #tpu.memory_space<vmem>>) offsets(%dma_start3A_55 : memref<100xi32, #tpu.memory_space<vmem>>) semaphore(%arg13 : memref<!tpu.dma_semaphore, #tpu.memory_space<semaphore_mem>>)
      } else {
      }
    }
    %scan3A_20 = arith.constant 50 : i32
    %barrier3A_21 = arith.constant 0 : index
    tpu.barrier barrier_id(%barrier3A_21)
    "tpu.region"() ({
      %run_scoped3A = tpu.sem_alloc : memref<!tpu.dma_semaphore, #tpu.memory_space<semaphore_mem>>
      %dma_start3A_22 = arith.constant 0 : i32
      %dma_start3A_23 = arith.constant 0 : i32
      %dma_start3A_24 = tpu.memref_slice %arg6[%arg0, %dma_start3A_22, %dma_start3A_23] : memref<2x10112x128xf32, #tpu.memory_space<hbm>> -> memref<1x10112x128xf32, #tpu.memory_space<hbm>>
      %dma_start3A_25 = tpu.memref_squeeze %dma_start3A_24 : memref<1x10112x128xf32, #tpu.memory_space<hbm>> -> memref<10112x128xf32, #tpu.memory_space<hbm>>
      %dma_start3A_26 = arith.constant 0 : i32
      %dma_start3A_27 = tpu.memref_slice %dma_start3A_25[%mul3A_2, %dma_start3A_26] : memref<10112x128xf32, #tpu.memory_space<hbm>> -> memref<632x128xf32, #tpu.memory_space<hbm>>
      %dma_start3A_28 = arith.constant 0 : i32
      %dma_start3A_29 = tpu.memref_slice %arg11[%mul3A_2, %dma_start3A_28] : memref<10112x128xf32, #tpu.memory_space<vmem_shared>> -> memref<632x128xf32, #tpu.memory_space<vmem_shared>>
      tpu.enqueue_dma source(%dma_start3A_29 : memref<632x128xf32, #tpu.memory_space<vmem_shared>>) target(%dma_start3A_27 : memref<632x128xf32, #tpu.memory_space<hbm>>) target_semaphore(%run_scoped3A : memref<!tpu.dma_semaphore, #tpu.memory_space<semaphore_mem>>)
      %dma_wait3A = arith.constant 0 : i32
      %dma_wait3A_30 = arith.constant 0 : i32
      %dma_wait3A_31 = tpu.memref_slice %arg6[%arg0, %dma_wait3A, %dma_wait3A_30] : memref<2x10112x128xf32, #tpu.memory_space<hbm>> -> memref<1x10112x128xf32, #tpu.memory_space<hbm>>
      %dma_wait3A_32 = tpu.memref_squeeze %dma_wait3A_31 : memref<1x10112x128xf32, #tpu.memory_space<hbm>> -> memref<10112x128xf32, #tpu.memory_space<hbm>>
      %dma_wait3A_33 = arith.constant 0 : i32
      %dma_wait3A_34 = tpu.memref_slice %dma_wait3A_32[%mul3A_2, %dma_wait3A_33] : memref<10112x128xf32, #tpu.memory_space<hbm>> -> memref<632x128xf32, #tpu.memory_space<hbm>>
      %dma_wait3A_35 = arith.constant 0 : i32
      %dma_wait3A_36 = tpu.memref_slice %arg11[%mul3A_2, %dma_wait3A_35] : memref<10112x128xf32, #tpu.memory_space<vmem_shared>> -> memref<632x128xf32, #tpu.memory_space<vmem_shared>>
      tpu.wait_dma2 semaphore(%run_scoped3A : memref<!tpu.dma_semaphore, #tpu.memory_space<semaphore_mem>>) src(%dma_wait3A_36 : memref<632x128xf32, #tpu.memory_space<vmem_shared>>) dst(%dma_wait3A_34 : memref<632x128xf32, #tpu.memory_space<hbm>>)
      tpu.yield
    }) : () -> ()
    return
  }
}

module attributes {stable_mosaic.version = 14 : i64} {
  func.func @_enc_body(%arg0: i32, %arg1: memref<400x128xf32, #tpu.memory_space<vmem>>, %arg2: memref<2x400x128xf32, #tpu.memory_space<vmem>>, %arg3: memref<2x400x8xf32, #tpu.memory_space<vmem>>, %arg4: memref<400x64xf32, #tpu.memory_space<vmem>>, %arg5: memref<128x64xf32, #tpu.memory_space<vmem>>, %arg6: memref<128x64xf32, #tpu.memory_space<vmem>>, %arg7: memref<128x64xf32, #tpu.memory_space<vmem>>, %arg8: memref<128x64xf32, #tpu.memory_space<vmem>>, %arg9: memref<1x64xf32, #tpu.memory_space<vmem>>, %arg10: memref<1x64xf32, #tpu.memory_space<vmem>>, %arg11: memref<400x64xf32, #tpu.memory_space<vmem>>) attributes {dimension_semantics = [#tpu.dimension_semantics<arbitrary>], iteration_bounds = array<i64: 25>, scalar_prefetch = 0 : i64, scratch_operands = 0 : i64, tpu.core_type = #tpu.core_type<tc>, window_params = [{transform_indices = @transform_0, window_bounds = array<i64: 400, 128>}, {transform_indices = @transform_1, window_bounds = array<i64: 2, 400, 128>}, {transform_indices = @transform_2, window_bounds = array<i64: 2, 400, 8>}, {transform_indices = @transform_3, window_bounds = array<i64: 400, 64>}, {pipeline_mode = #tpu.pipeline_mode<synchronous>, transform_indices = @transform_4, window_bounds = array<i64: 128, 64>}, {pipeline_mode = #tpu.pipeline_mode<synchronous>, transform_indices = @transform_5, window_bounds = array<i64: 128, 64>}, {pipeline_mode = #tpu.pipeline_mode<synchronous>, transform_indices = @transform_6, window_bounds = array<i64: 128, 64>}, {pipeline_mode = #tpu.pipeline_mode<synchronous>, transform_indices = @transform_7, window_bounds = array<i64: 128, 64>}, {pipeline_mode = #tpu.pipeline_mode<synchronous>, transform_indices = @transform_8, window_bounds = array<i64: 1, 64>}, {pipeline_mode = #tpu.pipeline_mode<synchronous>, transform_indices = @transform_9, window_bounds = array<i64: 1, 64>}, {transform_indices = @transform_10, window_bounds = array<i64: 400, 64>}]} {
    %get3A = arith.constant 0 : index
    %get3A_0 = arith.constant 0 : index
    %get3A_1 = arith.constant 0 : index
    %get3A_2 = vector.load %arg3[%get3A, %get3A_0, %get3A_1] : memref<2x400x8xf32, #tpu.memory_space<vmem>>, vector<1x400x1xf32>
    %get3A_3 = vector.shape_cast %get3A_2 : vector<1x400x1xf32> to vector<400x1xf32>
    %get3A_4 = arith.constant 1 : index
    %get3A_5 = arith.constant 0 : index
    %get3A_6 = arith.constant 0 : index
    %get3A_7 = vector.load %arg3[%get3A_4, %get3A_5, %get3A_6] : memref<2x400x8xf32, #tpu.memory_space<vmem>>, vector<1x400x1xf32>
    %get3A_8 = vector.shape_cast %get3A_7 : vector<1x400x1xf32> to vector<400x1xf32>
    %add3A = arith.addf %get3A_3, %get3A_8 : vector<400x1xf32>
    %max3A = arith.constant 1.000000e+00 : f32
    %max3A_9 = vector.broadcast %max3A : f32 to vector<400x1xf32>
    %max3A_10 = arith.maximumf %add3A, %max3A_9 : vector<400x1xf32>
    %get3A_11 = arith.constant 0 : index
    %get3A_12 = arith.constant 0 : index
    %get3A_13 = arith.constant 0 : index
    %get3A_14 = vector.load %arg2[%get3A_11, %get3A_12, %get3A_13] : memref<2x400x128xf32, #tpu.memory_space<vmem>>, vector<1x400x128xf32>
    %get3A_15 = vector.shape_cast %get3A_14 : vector<1x400x128xf32> to vector<400x128xf32>
    %get3A_16 = arith.constant 1 : index
    %get3A_17 = arith.constant 0 : index
    %get3A_18 = arith.constant 0 : index
    %get3A_19 = vector.load %arg2[%get3A_16, %get3A_17, %get3A_18] : memref<2x400x128xf32, #tpu.memory_space<vmem>>, vector<1x400x128xf32>
    %get3A_20 = vector.shape_cast %get3A_19 : vector<1x400x128xf32> to vector<400x128xf32>
    %add3A_21 = arith.addf %get3A_15, %get3A_20 : vector<400x128xf32>
    %div3A = vector.broadcast %max3A_10 : vector<400x1xf32> to vector<400x128xf32>
    %div3A_22 = arith.divf %add3A_21, %div3A : vector<400x128xf32>
    %get3A_23 = arith.constant 0 : index
    %get3A_24 = arith.constant 0 : index
    %get3A_25 = vector.load %arg1[%get3A_23, %get3A_24] : memref<400x128xf32, #tpu.memory_space<vmem>>, vector<400x128xf32>
    %get3A_26 = arith.constant 0 : index
    %get3A_27 = arith.constant 0 : index
    %get3A_28 = vector.load %arg5[%get3A_26, %get3A_27] : memref<128x64xf32, #tpu.memory_space<vmem>>, vector<128x64xf32>
    %dot_general3A = arith.constant dense<0.000000e+00> : vector<400x64xf32>
    %dot_general3A_29 = tpu.matmul %get3A_25, %get3A_28, %dot_general3A {dimension_numbers = #tpu.dot_dimension_numbers<[1], [0], [0], [1], [0, 0, 1, 1], [], []>, transpose_lhs_hint = false} : vector<400x128xf32>, vector<128x64xf32>, vector<400x64xf32> -> vector<400x64xf32>
    %get3A_30 = arith.constant 0 : index
    %get3A_31 = arith.constant 0 : index
    %get3A_32 = vector.load %arg7[%get3A_30, %get3A_31] : memref<128x64xf32, #tpu.memory_space<vmem>>, vector<128x64xf32>
    %dot_general3A_33 = arith.constant dense<0.000000e+00> : vector<400x64xf32>
    %dot_general3A_34 = tpu.matmul %div3A_22, %get3A_32, %dot_general3A_33 {dimension_numbers = #tpu.dot_dimension_numbers<[1], [0], [0], [1], [0, 0, 1, 1], [], []>, transpose_lhs_hint = false} : vector<400x128xf32>, vector<128x64xf32>, vector<400x64xf32> -> vector<400x64xf32>
    %add3A_35 = arith.addf %dot_general3A_29, %dot_general3A_34 : vector<400x64xf32>
    %get3A_36 = arith.constant 0 : index
    %get3A_37 = arith.constant 0 : index
    %get3A_38 = vector.load %arg9[%get3A_36, %get3A_37] : memref<1x64xf32, #tpu.memory_space<vmem>>, vector<1x64xf32>
    %add3A_39 = vector.broadcast %get3A_38 : vector<1x64xf32> to vector<400x64xf32>
    %add3A_40 = arith.addf %add3A_35, %add3A_39 : vector<400x64xf32>
    %get3A_41 = arith.constant 0 : index
    %get3A_42 = arith.constant 0 : index
    %get3A_43 = vector.load %arg6[%get3A_41, %get3A_42] : memref<128x64xf32, #tpu.memory_space<vmem>>, vector<128x64xf32>
    %dot_general3A_44 = arith.constant dense<0.000000e+00> : vector<400x64xf32>
    %dot_general3A_45 = tpu.matmul %get3A_25, %get3A_43, %dot_general3A_44 {dimension_numbers = #tpu.dot_dimension_numbers<[1], [0], [0], [1], [0, 0, 1, 1], [], []>, transpose_lhs_hint = false} : vector<400x128xf32>, vector<128x64xf32>, vector<400x64xf32> -> vector<400x64xf32>
    %get3A_46 = arith.constant 0 : index
    %get3A_47 = arith.constant 0 : index
    %get3A_48 = vector.load %arg8[%get3A_46, %get3A_47] : memref<128x64xf32, #tpu.memory_space<vmem>>, vector<128x64xf32>
    %dot_general3A_49 = arith.constant dense<0.000000e+00> : vector<400x64xf32>
    %dot_general3A_50 = tpu.matmul %div3A_22, %get3A_48, %dot_general3A_49 {dimension_numbers = #tpu.dot_dimension_numbers<[1], [0], [0], [1], [0, 0, 1, 1], [], []>, transpose_lhs_hint = false} : vector<400x128xf32>, vector<128x64xf32>, vector<400x64xf32> -> vector<400x64xf32>
    %add3A_51 = arith.addf %dot_general3A_45, %dot_general3A_50 : vector<400x64xf32>
    %get3A_52 = arith.constant 0 : index
    %get3A_53 = arith.constant 0 : index
    %get3A_54 = vector.load %arg10[%get3A_52, %get3A_53] : memref<1x64xf32, #tpu.memory_space<vmem>>, vector<1x64xf32>
    %add3A_55 = vector.broadcast %get3A_54 : vector<1x64xf32> to vector<400x64xf32>
    %add3A_56 = arith.addf %add3A_51, %add3A_55 : vector<400x64xf32>
    %jit3A = arith.constant -3.000000e+01 : f32
    %jit3A_57 = arith.constant 2.000000e+01 : f32
    %max3A_58 = vector.broadcast %jit3A : f32 to vector<400x64xf32>
    %max3A_59 = arith.maximumf %max3A_58, %add3A_56 : vector<400x64xf32>
    %min3A = vector.broadcast %jit3A_57 : f32 to vector<400x64xf32>
    %min3A_60 = arith.minimumf %min3A, %max3A_59 : vector<400x64xf32>
    %mul3A = arith.constant 5.000000e-01 : f32
    %mul3A_61 = vector.broadcast %mul3A : f32 to vector<400x64xf32>
    %mul3A_62 = arith.mulf %mul3A_61, %min3A_60 : vector<400x64xf32>
    %exp3A = math.exp %mul3A_62 : vector<400x64xf32>
    %get3A_63 = arith.constant 0 : index
    %get3A_64 = arith.constant 0 : index
    %get3A_65 = vector.load %arg4[%get3A_63, %get3A_64] : memref<400x64xf32, #tpu.memory_space<vmem>>, vector<400x64xf32>
    %mul3A_66 = arith.mulf %exp3A, %get3A_65 : vector<400x64xf32>
    %add3A_67 = arith.addf %add3A_40, %mul3A_66 : vector<400x64xf32>
    %swap3A = arith.constant 0 : index
    %swap3A_68 = arith.constant 0 : index
    %swap3A_69 = vector.load %arg11[%swap3A, %swap3A_68] : memref<400x64xf32, #tpu.memory_space<vmem>>, vector<400x64xf32>
    tpu.vector_store %arg11[%swap3A, %swap3A_68], %add3A_67 {strides = array<i32>} : memref<400x64xf32, #tpu.memory_space<vmem>>, vector<400x64xf32>,
    return
  }
  func.func @transform_0(%arg0: i32) -> (i32, i32) {
    %c0_i32 = arith.constant 0 : i32
    %c0_i32_0 = arith.constant 0 : i32
    return %arg0, %c0_i32 : i32, i32
  }
  func.func @transform_1(%arg0: i32) -> (i32, i32, i32) {
    %c0_i32 = arith.constant 0 : i32
    %c0_i32_0 = arith.constant 0 : i32
    %c0_i32_1 = arith.constant 0 : i32
    return %c0_i32, %arg0, %c0_i32_0 : i32, i32, i32
  }
  func.func @transform_2(%arg0: i32) -> (i32, i32, i32) {
    %c0_i32 = arith.constant 0 : i32
    %c0_i32_0 = arith.constant 0 : i32
    %c0_i32_1 = arith.constant 0 : i32
    return %c0_i32, %arg0, %c0_i32_0 : i32, i32, i32
  }
  func.func @transform_3(%arg0: i32) -> (i32, i32) {
    %c0_i32 = arith.constant 0 : i32
    %c0_i32_0 = arith.constant 0 : i32
    return %arg0, %c0_i32 : i32, i32
  }
  func.func @transform_4(%arg0: i32) -> (i32, i32) {
    %c0_i32 = arith.constant 0 : i32
    %c0_i32_0 = arith.constant 0 : i32
    %c0_i32_1 = arith.constant 0 : i32
    return %c0_i32, %c0_i32_0 : i32, i32
  }
  func.func @transform_5(%arg0: i32) -> (i32, i32) {
    %c0_i32 = arith.constant 0 : i32
    %c0_i32_0 = arith.constant 0 : i32
    %c0_i32_1 = arith.constant 0 : i32
    return %c0_i32, %c0_i32_0 : i32, i32
  }
  func.func @transform_6(%arg0: i32) -> (i32, i32) {
    %c0_i32 = arith.constant 0 : i32
    %c0_i32_0 = arith.constant 0 : i32
    %c0_i32_1 = arith.constant 0 : i32
    return %c0_i32, %c0_i32_0 : i32, i32
  }
  func.func @transform_7(%arg0: i32) -> (i32, i32) {
    %c0_i32 = arith.constant 0 : i32
    %c0_i32_0 = arith.constant 0 : i32
    %c0_i32_1 = arith.constant 0 : i32
    return %c0_i32, %c0_i32_0 : i32, i32
  }
  func.func @transform_8(%arg0: i32) -> (i32, i32) {
    %c0_i32 = arith.constant 0 : i32
    %c0_i32_0 = arith.constant 0 : i32
    %c0_i32_1 = arith.constant 0 : i32
    return %c0_i32, %c0_i32_0 : i32, i32
  }
  func.func @transform_9(%arg0: i32) -> (i32, i32) {
    %c0_i32 = arith.constant 0 : i32
    %c0_i32_0 = arith.constant 0 : i32
    %c0_i32_1 = arith.constant 0 : i32
    return %c0_i32, %c0_i32_0 : i32, i32
  }
  func.func @transform_10(%arg0: i32) -> (i32, i32) {
    %c0_i32 = arith.constant 0 : i32
    %c0_i32_0 = arith.constant 0 : i32
    return %arg0, %c0_i32 : i32, i32
  }
}

module attributes {stable_mosaic.version = 14 : i64} {
  func.func @_dec_body(%arg0: i32, %arg1: memref<400x64xf32, #tpu.memory_space<vmem>>, %arg2: memref<2x400x64xf32, #tpu.memory_space<vmem>>, %arg3: memref<2x400x8xf32, #tpu.memory_space<vmem>>, %arg4: memref<64x128xf32, #tpu.memory_space<vmem>>, %arg5: memref<64x128xf32, #tpu.memory_space<vmem>>, %arg6: memref<1x128xf32, #tpu.memory_space<vmem>>, %arg7: memref<400x128xf32, #tpu.memory_space<vmem>>) attributes {dimension_semantics = [#tpu.dimension_semantics<arbitrary>], iteration_bounds = array<i64: 25>, scalar_prefetch = 0 : i64, scratch_operands = 0 : i64, tpu.core_type = #tpu.core_type<tc>, window_params = [{transform_indices = @transform_0, window_bounds = array<i64: 400, 64>}, {transform_indices = @transform_1, window_bounds = array<i64: 2, 400, 64>}, {transform_indices = @transform_2, window_bounds = array<i64: 2, 400, 8>}, {pipeline_mode = #tpu.pipeline_mode<synchronous>, transform_indices = @transform_3, window_bounds = array<i64: 64, 128>}, {pipeline_mode = #tpu.pipeline_mode<synchronous>, transform_indices = @transform_4, window_bounds = array<i64: 64, 128>}, {pipeline_mode = #tpu.pipeline_mode<synchronous>, transform_indices = @transform_5, window_bounds = array<i64: 1, 128>}, {transform_indices = @transform_6, window_bounds = array<i64: 400, 128>}]} {
    %get3A = arith.constant 0 : index
    %get3A_0 = arith.constant 0 : index
    %get3A_1 = arith.constant 0 : index
    %get3A_2 = vector.load %arg3[%get3A, %get3A_0, %get3A_1] : memref<2x400x8xf32, #tpu.memory_space<vmem>>, vector<1x400x1xf32>
    %get3A_3 = vector.shape_cast %get3A_2 : vector<1x400x1xf32> to vector<400x1xf32>
    %get3A_4 = arith.constant 1 : index
    %get3A_5 = arith.constant 0 : index
    %get3A_6 = arith.constant 0 : index
    %get3A_7 = vector.load %arg3[%get3A_4, %get3A_5, %get3A_6] : memref<2x400x8xf32, #tpu.memory_space<vmem>>, vector<1x400x1xf32>
    %get3A_8 = vector.shape_cast %get3A_7 : vector<1x400x1xf32> to vector<400x1xf32>
    %add3A = arith.addf %get3A_3, %get3A_8 : vector<400x1xf32>
    %max3A = arith.constant 1.000000e+00 : f32
    %max3A_9 = vector.broadcast %max3A : f32 to vector<400x1xf32>
    %max3A_10 = arith.maximumf %add3A, %max3A_9 : vector<400x1xf32>
    %get3A_11 = arith.constant 0 : index
    %get3A_12 = arith.constant 0 : index
    %get3A_13 = arith.constant 0 : index
    %get3A_14 = vector.load %arg2[%get3A_11, %get3A_12, %get3A_13] : memref<2x400x64xf32, #tpu.memory_space<vmem>>, vector<1x400x64xf32>
    %get3A_15 = vector.shape_cast %get3A_14 : vector<1x400x64xf32> to vector<400x64xf32>
    %get3A_16 = arith.constant 1 : index
    %get3A_17 = arith.constant 0 : index
    %get3A_18 = arith.constant 0 : index
    %get3A_19 = vector.load %arg2[%get3A_16, %get3A_17, %get3A_18] : memref<2x400x64xf32, #tpu.memory_space<vmem>>, vector<1x400x64xf32>
    %get3A_20 = vector.shape_cast %get3A_19 : vector<1x400x64xf32> to vector<400x64xf32>
    %add3A_21 = arith.addf %get3A_15, %get3A_20 : vector<400x64xf32>
    %div3A = vector.broadcast %max3A_10 : vector<400x1xf32> to vector<400x64xf32>
    %div3A_22 = arith.divf %add3A_21, %div3A : vector<400x64xf32>
    %get3A_23 = arith.constant 0 : index
    %get3A_24 = arith.constant 0 : index
    %get3A_25 = vector.load %arg1[%get3A_23, %get3A_24] : memref<400x64xf32, #tpu.memory_space<vmem>>, vector<400x64xf32>
    %get3A_26 = arith.constant 0 : index
    %get3A_27 = arith.constant 0 : index
    %get3A_28 = vector.load %arg4[%get3A_26, %get3A_27] : memref<64x128xf32, #tpu.memory_space<vmem>>, vector<64x128xf32>
    %dot_general3A = arith.constant dense<0.000000e+00> : vector<400x128xf32>
    %dot_general3A_29 = tpu.matmul %get3A_25, %get3A_28, %dot_general3A {dimension_numbers = #tpu.dot_dimension_numbers<[1], [0], [0], [1], [0, 0, 1, 1], [], []>, transpose_lhs_hint = false} : vector<400x64xf32>, vector<64x128xf32>, vector<400x128xf32> -> vector<400x128xf32>
    %get3A_30 = arith.constant 0 : index
    %get3A_31 = arith.constant 0 : index
    %get3A_32 = vector.load %arg5[%get3A_30, %get3A_31] : memref<64x128xf32, #tpu.memory_space<vmem>>, vector<64x128xf32>
    %dot_general3A_33 = arith.constant dense<0.000000e+00> : vector<400x128xf32>
    %dot_general3A_34 = tpu.matmul %div3A_22, %get3A_32, %dot_general3A_33 {dimension_numbers = #tpu.dot_dimension_numbers<[1], [0], [0], [1], [0, 0, 1, 1], [], []>, transpose_lhs_hint = false} : vector<400x64xf32>, vector<64x128xf32>, vector<400x128xf32> -> vector<400x128xf32>
    %add3A_35 = arith.addf %dot_general3A_29, %dot_general3A_34 : vector<400x128xf32>
    %get3A_36 = arith.constant 0 : index
    %get3A_37 = arith.constant 0 : index
    %get3A_38 = vector.load %arg6[%get3A_36, %get3A_37] : memref<1x128xf32, #tpu.memory_space<vmem>>, vector<1x128xf32>
    %add3A_39 = vector.broadcast %get3A_38 : vector<1x128xf32> to vector<400x128xf32>
    %add3A_40 = arith.addf %add3A_35, %add3A_39 : vector<400x128xf32>
    %swap3A = arith.constant 0 : index
    %swap3A_41 = arith.constant 0 : index
    %swap3A_42 = vector.load %arg7[%swap3A, %swap3A_41] : memref<400x128xf32, #tpu.memory_space<vmem>>, vector<400x128xf32>
    tpu.vector_store %arg7[%swap3A, %swap3A_41], %add3A_40 {strides = array<i32>} : memref<400x128xf32, #tpu.memory_space<vmem>>, vector<400x128xf32>,
    return
  }
  func.func @transform_0(%arg0: i32) -> (i32, i32) {
    %c0_i32 = arith.constant 0 : i32
    %c0_i32_0 = arith.constant 0 : i32
    return %arg0, %c0_i32 : i32, i32
  }
  func.func @transform_1(%arg0: i32) -> (i32, i32, i32) {
    %c0_i32 = arith.constant 0 : i32
    %c0_i32_0 = arith.constant 0 : i32
    %c0_i32_1 = arith.constant 0 : i32
    return %c0_i32, %arg0, %c0_i32_0 : i32, i32, i32
  }
  func.func @transform_2(%arg0: i32) -> (i32, i32, i32) {
    %c0_i32 = arith.constant 0 : i32
    %c0_i32_0 = arith.constant 0 : i32
    %c0_i32_1 = arith.constant 0 : i32
    return %c0_i32, %arg0, %c0_i32_0 : i32, i32, i32
  }
  func.func @transform_3(%arg0: i32) -> (i32, i32) {
    %c0_i32 = arith.constant 0 : i32
    %c0_i32_0 = arith.constant 0 : i32
    %c0_i32_1 = arith.constant 0 : i32
    return %c0_i32, %c0_i32_0 : i32, i32
  }
  func.func @transform_4(%arg0: i32) -> (i32, i32) {
    %c0_i32 = arith.constant 0 : i32
    %c0_i32_0 = arith.constant 0 : i32
    %c0_i32_1 = arith.constant 0 : i32
    return %c0_i32, %c0_i32_0 : i32, i32
  }
  func.func @transform_5(%arg0: i32) -> (i32, i32) {
    %c0_i32 = arith.constant 0 : i32
    %c0_i32_0 = arith.constant 0 : i32
    %c0_i32_1 = arith.constant 0 : i32
    return %c0_i32, %c0_i32_0 : i32, i32
  }
  func.func @transform_6(%arg0: i32) -> (i32, i32) {
    %c0_i32 = arith.constant 0 : i32
    %c0_i32_0 = arith.constant 0 : i32
    return %arg0, %c0_i32 : i32, i32
  }
}

</mosaic_0001>

<sc_bundles>
// kernel: kernel.10.cloned.1.call-start
scs
__scs_entry_jumppad:
0x0: {  	(pc) =	sbr.rel $0x88, $3  }
0x1: {  	(tag) =	ssettag $0x0;
	lr =	simm.s32 $0x1  }
0x2: {  	[smem:$0x3F98] =	sst lr;
	_ =	strace $0xD0000000  }
0x3: {  	_ = 	snop  }
0x4: {  	_ = 	snop  }
0x5: {  	_ = 	snop  }
0x6: {  	_ = 	snop  }
0x7: {  	_ = 	snop  }
__scs_overlays_trampoline_lowered:
0x8: {  	[smem:$0x3FA7] =	sst s0  }
0x9: {  	[smem:$0x3FA8] =	sst s1  }
0xa: {  	[smem:$0x3FA9] =	sst s2  }
0xb: {  	[smem:$0x3FAA] =	sst s3  }
0xc: {  	[smem:$0x3FAB] =	sst s4  }
0xd: {  	[smem:$0x3FAC] =	sst s5  }
0xe: {  	[smem:$0x3FAD] =	sst s6  }
0xf: {  	[smem:$0x3FAE] =	sst s7  }
0x10: {  	[smem:$0x3FAF] =	sst s8  }
0x11: {  	[smem:$0x3FB0] =	sst s9;
	s0 =	simm.s32 @!p0 $0x0  }
0x12: {  	s1 =	sld [smem:$0x3F96];
	s0 =	simm.s32 @p0 $0x1  }
0x13: {  	[smem:$0x3FB1] =	sst s0;
	s0 =	simm.s32 @!p1 $0x0  }
0x14: {  	s2 =	sld [smem:$0x3F95];
	s0 =	simm.s32 @p1 $0x1  }
0x15: {  	[smem:$0x3FB2] =	sst s0;
	s0 =	simm.s32 @!p2 $0x0  }
0x16: {  	s3 =	sld [smem:$0x3FDB];
	s0 =	simm.s32 @p2 $0x1  }
0x17: {  	s4 =	simm.s32 $0x1BF5;
	[smem:$0x3FB4] =	sst s0  }
0x18: {  	s0 =	sld [smem:$0x3F97];
	_ =	swait.ge [sflag:s4], $0x0  }
0x19: {  	s7 =	sld [smem:$0x3F98]  }
0x1a: {  	s8 =	sadd.s32 $0xFFFFE003, lr  }
0x1b: {  	s9 =	sadd.s32 $0xFFFFFEF7, lr;
	s5 =	simm.s32 $0xFFFFFFFF;
	p2 =	slt.u32 s8, $0xFFFFF086  }
0x1c: {  	p1 =	slt.u32 s9, $0xF7A;
	s5 =	simm.s32 @!p2 $0x0  }
0x1d: {  	s5 =	simm.s32 @p1 $0x1;
	p0 =	seq.s32 s7, s2  }
0x1e: {  	s7 =	smul.u32 @!p0 $0xF7A, s2;
	p2 =	seq.s32 @!p0 s5, $0x0  }
0x1f: {  	s9 =	smul.u32 $0xF7A, s1;
	s8 =	simm.s32 @!p0 $0x1BF5;
	p2 =	por !p2, p0  }
0x20: {  	[sflag:s8] =	ssyncset.s32 @!p0 $0xFFFFF086;
	s6 =	sadd.s32 @!p0 s3, s7;
	s7 =	simm.s32 @!p0 $0x108  }
0x21: {  	s3 =	sadd.s32 s3, s9;
	s6 =	sadd.s32 @!p0 $0x88, s6;
	s7 =	simm.s32 @p2 $0x1082  }
0x22: {  	[simem:s7], [sflag:s8] =	dma.local @!p0 [hbm:s6], $0xF7A  }
0x23: {  	s9 =	sor.u32 $0xD0000000, s2;
	s6 =	simm.s32 $0x108;
	_ =	swait.ge @!p0 [sflag:s8], $0x0  }
0x24: {  	s3 =	sadd.s32 $0x88, s3;
	s6 =	simm.s32 @!p1 $0x1082;
	[sflag:s4] =	ssyncset.s32 $0xFFFFF086  }
0x25: {  	[simem:s6], [sflag:s4] =	dma.local [hbm:s3], $0xF7A  }
0x26: {  	[smem:$0x3F98] =	sst s1;
	(tag) =	ssettag s2;
	_ =	strace s9  }
0x27: {  	s1 =	sld [smem:$0x3FA8]  }
0x28: {  	s2 =	sld [smem:$0x3FA9]  }
0x29: {  	s4 =	sld [smem:$0x3FAB]  }
0x2a: {  	p0 =	seq.s32 s5, $0x0;
	s5 =	sld [smem:$0x3FAC]  }
0x2b: {  	s6 =	sld [smem:$0x3FAD]  }
0x2c: {  	s7 =	sld [smem:$0x3FAE]  }
0x2d: {  	s3 =	simm.s32 $0x108;
	s8 =	sld [smem:$0x3FAF]  }
0x2e: {  	s3 =	simm.s32 @!p0 $0x1082;
	s9 =	sld [smem:$0x3FB0]  }
0x2f: {  	lr =	sadd.s32 s0, s3;
	s0 =	sld [smem:$0x3FA7]  }
0x30: {  	s3 =	sld [smem:$0x3FAA]  }
0x31: {  	[smem:$0x3FB3] =	sst s10  }
0x32: {  	s10 =	sld [smem:$0x3FB1];
	_ =	sdelay $0x3  }
0x33: {  	p0 =	seq.s32 s10, $0x1;
	s10 =	sld [smem:$0x3FB3];
	_ =	sdelay $0x3  }
0x34: {  	[smem:$0x3FB3] =	sst s10  }
0x35: {  	s10 =	sld [smem:$0x3FB2];
	_ =	sdelay $0x3  }
0x36: {  	p1 =	seq.s32 s10, $0x1;
	s10 =	sld [smem:$0x3FB3];
	_ =	sdelay $0x3  }
0x37: {  	[smem:$0x3FB3] =	sst s10  }
0x38: {  	s10 =	sld [smem:$0x3FB4]  }
0x39: {  	_ = 	snop;
	(pc) =	sbr.ind lr, $3  }
0x3a: {  	_ = 	snop  }
0x3b: {  	_ = 	snop  }
0x3c: {  	p2 =	seq.s32 s10, $0x1;
	s10 =	sld [smem:$0x3FB3]  }
0x3d: {  	_ =	shalt  }
0x3e: {  	_ =	shalt  }
0x3f: {  	_ =	shalt  }
0x40: {  	_ =	shalt  }
0x41: {  	_ =	shalt  }
0x42: {  	_ =	shalt  }
0x43: {  	_ =	shalt  }
0x44: {  	_ =	shalt  }
0x45: {  	_ =	shalt  }
0x46: {  	_ =	shalt  }
0x47: {  	_ =	shalt  }
0x48: {  	_ =	shalt  }
0x49: {  	_ =	shalt  }
0x4a: {  	_ =	shalt  }
0x4b: {  	_ =	shalt  }
0x4c: {  	_ =	shalt  }
0x4d: {  	_ =	shalt  }
0x4e: {  	_ =	shalt  }
0x4f: {  	_ =	shalt  }
0x50: {  	_ =	shalt  }
0x51: {  	_ =	shalt  }
0x52: {  	_ =	shalt  }
0x53: {  	_ =	shalt  }
0x54: {  	_ =	shalt  }
0x55: {  	_ =	shalt  }
0x56: {  	_ =	shalt  }
0x57: {  	_ =	shalt  }
0x58: {  	_ =	shalt  }
0x59: {  	_ =	shalt  }
0x5a: {  	_ =	shalt  }
0x5b: {  	_ =	shalt  }
0x5c: {  	_ =	shalt  }
0x5d: {  	_ =	shalt  }
0x5e: {  	_ =	shalt  }
0x5f: {  	_ =	shalt  }
0x60: {  	_ =	shalt  }
0x61: {  	_ =	shalt  }
0x62: {  	_ =	shalt  }
0x63: {  	_ =	shalt  }
0x64: {  	_ =	shalt  }
0x65: {  	_ =	shalt  }
0x66: {  	_ =	shalt  }
0x67: {  	_ =	shalt  }
0x68: {  	_ =	shalt  }
0x69: {  	_ =	shalt  }
0x6a: {  	_ =	shalt  }
0x6b: {  	_ =	shalt  }
0x6c: {  	_ =	shalt  }
0x6d: {  	_ =	shalt  }
0x6e: {  	_ =	shalt  }
0x6f: {  	_ =	shalt  }
0x70: {  	_ =	shalt  }
0x71: {  	_ =	shalt  }
0x72: {  	_ =	shalt  }
0x73: {  	_ =	shalt  }
0x74: {  	_ =	shalt  }
0x75: {  	_ =	shalt  }
0x76: {  	_ =	shalt  }
0x77: {  	_ =	shalt  }
0x78: {  	_ =	shalt  }
0x79: {  	_ =	shalt  }
0x7a: {  	_ =	shalt  }
0x7b: {  	_ =	shalt  }
0x7c: {  	_ =	shalt  }
0x7d: {  	_ =	shalt  }
0x7e: {  	_ =	shalt  }
0x7f: {  	_ =	shalt  }
0x80: {  	_ =	shalt  }
0x81: {  	_ =	shalt  }
0x82: {  	_ =	shalt  }
0x83: {  	_ =	shalt  }
0x84: {  	_ =	shalt  }
0x85: {  	_ =	shalt  }
0x86: {  	_ =	shalt  }
0x87: {  	_ =	shalt  }
.Lfunc_end0:
.L_simem_size_0:
called_computation.1_lowered:
.L_overlay_start_0:
0x88: {  	s2 =	sld [smem:$0x3FD9]  }
0x89: {  	s3 =	sld [smem:$0x3FFE];
	_ =	sdelay $0x1  }
0x8a: {  	s1 =	srdreg.scid  }
0x8b: {  	s0 =	sand.u32 $0x1, s1  }
0x8c: {  	s17 =	sshll.u32 s0, $0xA;
	s2 =	sadd.s32 s3, s2  }
0x8d: {  	s2 =	sadd.s32 s2, s17  }
0x8e: {  	[smem:$0x3FBF] =	sst s2  }
0x8f: {  	_ = 	snop  }
0x90: {  	s18 =	sld [smem:$0x3FC9]  }
0x91: {  	s4 =	sld [smem:$0x3FD0];
	(tm) =	ssettm $0x1  }
0x92: {  	s19 =	sld [smem:$0x3FFB];
	_ =	sdelay $0x3  }
0x93: {  	_ =	strace s19  }
0x94: {  	s2 =	sld [smem:$0x3FFC];
	_ =	sdelay $0x3  }
0x95: {  	_ =	strace s2  }
0x96: {  	s2 =	sld [smem:$0x3FFD];
	_ =	sdelay $0x3  }
0x97: {  	_ =	strace s2  }
0x98: {  	_ =	strace $0x8FFFFFFF  }
0x99: {  	s20 =	sld [smem:$0x3FDB];
	_ =	sdelay $0x1  }
0x9a: {  	s5 =	simm.s32 $_scs_section_size  }
0x9b: {  	s6 =	simm.s32 $_size__tile_overlayer_lowered;
	s7 =	simm.s32 $_tile_overlayer_lowered  }
0x9c: {  	s8 =	simm.s32 $0x1BFF;
	s21 =	sshll.u32 s7, $0x1;
	s5 =	sadd.s32 s5, s20  }
0x9d: {  	s22 =	simm.s32 $0x0;
	s6 =	sshll.u32 s6, $0x1;
	s7 =	sadd.s32 s21, s5  }
0x9e: {  	[timem:s22], [sflag:s8] =	dma.local [hbm:s7], s6  }
0x9f: {  	_ =	swait.ge [sflag:s8], s6  }
0xa0: {  	s6 =	ssub.s32 $0x0, s6;
	[sflag:s8] =	ssyncset.done $0x0  }
0xa1: {  	[sflag:s8] =	ssyncadd.s32 s6;
	_ =	sdelay $0x1  }
0xa2: {  	s23 =	simm.s32 $0x1B8B  }
0xa3: {  	_ =	swait.ge [sflag:s23], $0x1  }
0xa4: {  	[sflag:s23] =	ssyncset.done $0x0  }
0xa5: {  	[sflag:s23] =	ssyncadd.s32 $0xFFFFFFFF  }
0xa6: {  	s6 =	sld [smem:$0x0]  }
0xa7: {  	s7 =	sand.u32 $0xFFFFFFFE, s1  }
0xa8: {  	p0 =	sne.s32 s1, s7  }
0xa9: {  	s7 =	sshll.u32 @p0 s7, $0xE  }
0xaa: {  	s7 =	sadd.s32 @p0 $0x11B8D, s7;
	s8 =	sshll.u32 @p0 s6, $0x11  }
0xab: {  	s7 =	sor.u32 @p0 s8, s7  }
0xac: {  	[sflag:s7] =	ssyncadd.remote.s32 @p0 $0x1;
	_ =	sdelay $0x1  }
0xad: {  	s7 =	simm.s32 @p0 $0x1B8D  }
0xae: {  	_ =	swait.eq @p0 [sflag:s7], $0x1  }
0xaf: {  	[sflag:s7] =	ssyncadd.s32 @p0 $0xFFFFFFFF  }
0xb0: {  	s8 =	sshll.u32 @!p0 s1, $0xE  }
0xb1: {  	s8 =	sor.u32 @!p0 $0x4000, s8;
	s7 =	simm.s32 @!p0 $0x1B8D  }
0xb2: {  	s6 =	sshll.u32 @!p0 s6, $0x11;
	s8 =	sadd.s32 @!p0 $0x11B8D, s8;
	_ =	swait.eq @!p0 [sflag:s7], $0x1  }
0xb3: {  	s6 =	sor.u32 @!p0 s6, s8;
	[sflag:s7] =	ssyncadd.s32 @!p0 $0xFFFFFFFF  }
0xb4: {  	s25 =	simm.s32 $0x1B8E;
	s24 =	sld [smem:$0x3FFE];
	[sflag:s6] =	ssyncadd.remote.s32 @!p0 $0x1  }
0xb5: {  	s26 =	simm.s32 $execute0_lowered;
	[smem:$0x3FD2] =	sst s25  }
0xb6: {  	s7 =	sshll.u32 s26, $0x1;
	_ =	strace $0x80000049;
	[dreg:$0x1] =	wrdreg $0xFFFFFFFF  }
0xb7: {  	s28 =	simm.s32 $_size_execute0_lowered;
	s5 =	sadd.s32 s5, s7;
	[dreg:$0x0] =	wrdreg $0x0  }
0xb8: {  	s7 =	sshll.u32 s28, $0x1;
	[dreg:$0x2] =	wrdreg s5  }
0xb9: {  	[dreg:$0x3] =	wrdreg s7  }
0xba: {  	[dreg:$0x4] =	wrdreg $0xC0  }
0xbb: {  	_ =	task [dreg:s22], $0x5FFFF  }
0xbc: {  	[dreg:$0x1] =	wrdreg $0xFFFFFFFF  }
0xbd: {  	[dreg:$0x0] =	wrdreg $0x60  }
0xbe: {  	[dreg:$0x2] =	wrdreg s18  }
0xbf: {  	[dreg:$0x3] =	wrdreg s4  }
0xc0: {  	[dreg:$0x4] =	wrdreg s24  }
0xc1: {  	[dreg:$0x5] =	wrdreg $0xB5400  }
0xc2: {  	[dreg:$0x6] =	wrdreg $0xA  }
0xc3: {  	_ =	task.clear_ibuf [dreg:s22], $0x7FFFF;
	_ =	strace $0x90000049  }
0xc4: {  	s29 =	simm.s32 $0xA;
	_ =	strace $0x8000004B  }
0xc5: {  	_ =	swait.ge [sflag:s29], $0x1  }
0xc6: {  	[sflag:s29] =	ssyncadd.s32 $0xFFFFFFFF  }
0xc7: {  	_ =	strace $0x9000004B  }
0xc8: {  	_ =	sfence  }
0xc9: {  	s30 =	sld [smem:$0x0];
	_ =	sdelay $0x2  }
0xca: {  	s31 =	sshll.u32 s1, $0xD;
	s1 =	sshrl.u32 s1, $0x2  }
0xcb: {  	s4 =	sand.u32 $0x4000, s31;
	s1 =	sadd.s32 s1, s30  }
0xcc: {  	s0 =	sor.u32 s4, s0;
	s1 =	sshll.u32 s1, $0x11  }
0xcd: {  	s0 =	sor.u32 s1, s0  }
0xce: {  	s0 =	sadd.s32 $0x8F2B, s0  }
0xcf: {  	[sflag:s0] =	ssyncadd.remote.s32 $0x1  }
0xd0: {  	_ =	sfence.sel $0xFFFF  }
0xd1: {  	[dreg:$0x0] =	wrdreg $0xFFFFFFFF;
	(pc) =	sbr.abs _section_cstart, $3  }
0xd2: {  	[dreg:$0x1] =	wrdreg $0xFFFFFFFF  }
0xd3: {  	_ =	task.clear_ibuf [dreg:s22], $0x2FFFF;
	_ =	strace $0x9FFFFFFF  }
0xd4: {  	(tm) =	ssettm $0x7FFFFFFF  }
0xd5: {  	_ =	shalt  }
tec
execute0_lowered:
.L_overlay_start_1:
0x0: {  	(tag) =	ssettag $0x1  }
0x1: {  	s0 =	rddreg [dreg:$0x0]  }
0x2: {  	s7 =	rddreg [dreg:$0x1]  }
0x3: {  	s1 =	srdreg.scid;
	s8 =	rddreg [dreg:$0x2]  }
0x4: {  	s3 =	rddreg [dreg:$0x3];
	s4 =	simm.s32 $0x0;
	s16 =	simm.s32 $0x8340  }
0x5: {  	s17 =	simm.s32 $0x1;
	s18 =	simm.s32 $0x2;
	s19 =	simm.s32 $0x5070  }
0x6: {  	s20 =	simm.s32 $0x50D8;
	s6 =	sand.u32 $0x1, s1;
	s1 =	stileid.u32  }
0x7: {  	[smem:$0x7FF] =	sst s4;
	s2 =	sshll.u32 s6, $0x4;
	s11 =	smul.u32 $0x27800, s6  }
0x8: {  	s6 =	ssub.s32 $0x2, s6;
	s12 =	smul.u32 $0x13C00, s1;
	s13 =	sshll.u32 s1, $0x6  }
0x9: {  	s5 =	sor.u32 s1, s2;
	s2 =	rddreg [dreg:$0x4];
	_ =	strace $0x8000004A  }
0xa: {  	s31 =	sshrl.u32 s6, $0x1;
	s9 =	smul.u32 $0x514, s5;
	s5 =	sadd.s32 $0x1B800, s8  }
0xb: {  	s11 =	sadd.s32 s11, s8;
	s14 =	ssub.s32 s6, s31;
	s15 =	sadd.s32 s12, s3  }
0xc: {  	s6 =	sor.u32 $0x1C03, s13;
	s22 =	sshrl.u32 s12, $0x3;
	s12 =	simm.s32 $0x28A0  }
0xd: {  	s13 =	simm.s32 $0x64;
	s21 =	sadd.s32 $0x1E000, s11;
	s11 =	simm.s32 $0x3  }
0xe: {  	s10 =	sadd.s32 s9, s8;
	s7 =	sadd.s32 s7, s9;
	s9 =	smax.u32 s14, $0x1  }
0xf: {  	s14 =	simm.s32 $0x5140;
	s21 =	sadd.s32 s22, s21;
	s22 =	simm.s32 $0x0  }
0x10: {  	s8 =	sadd.s32 $0x11400, s10;
	s10 =	sshrl.u32 s15, $0x3;
	s15 =	simm.s32 $0x68  }
.LBB2_1:
0x11: {  	[spmem:s10], [sflag:s6] =	dma.local [hbm:s5], $0x2780  }
0x12: {  	_ =	swait.ge [sflag:s11], $0x2780  }
0x13: {  	[sflag:s11] =	ssyncset.done $0x0  }
0x14: {  	[sflag:s11] =	ssyncadd.s32 $0xFFFFD880  }
0x15: {  	[tilespmem:s4], [sflag:$0x3] =	stream.linear.gather [hbm4b:s7+s4], $0x28A0, $0x38;
	[tilespmem:$0x1F140] =	vst v63  }
0x16: {  	_ =	swait.ge [sflag:s11], $0x28A0  }
0x17: {  	[sflag:s11] =	ssyncset.done $0x0  }
0x18: {  	[sflag:s11] =	ssyncadd.s32 $0xFFFFD760  }
0x19: {  	[tilespmem:s12], [sflag:$0x3] =	stream.linear.gather [hbm4b:s8+s4], $0x28A0, $0x38;
	[tilespmem:$0x1F140] =	vst v63  }
0x1a: {  	_ =	swait.ge [sflag:s11], $0x28A0  }
0x1b: {  	[sflag:s11] =	ssyncset.done $0x0  }
0x1c: {  	[sflag:s11] =	ssyncadd.s32 $0xFFFFD760  }
0x1d: {  	[bflag:$0x0] =	sbarrier.arrive $0xFFFF  }
0x1e: {  	[tilespmem:s14], [sflag:$0x1] =	stream.indirect.gather [hbm4b:s0+s13], $0x80, s4, s13, $0xb8;
	[tilespmem:$0x1F140] =	vst v63  }
0x1f: {  	_ = 	snop  }
0x20: {  	[tilespmem:s16], [sflag:$0x2] =	stream.indirect.gather [hbm4b:s0+s13], $0x80, s15, s13, $0xb8;
	[tilespmem:$0x1F140] =	vst v63  }
0x21: {  	_ =	swait.ge [sflag:s17], $0x3200  }
0x22: {  	[sflag:s17] =	ssyncset.done $0x0  }
0x23: {  	s23 =	simm.s32 $0x28A0;
	[sflag:s17] =	ssyncadd.s32 $0xFFFFCE00  }
0x24: {  	[spmem:s3] =	stream.indirect.scatter.add.f32 [tilespmem:s14], [sflag:$0x3], $0x80, s23, s13, $0xb8;
	[tilespmem:$0x1F140] =	vst v63  }
0x25: {  	_ =	swait.ge [sflag:s11], $0x3200  }
0x26: {  	[sflag:s11] =	ssyncset.done $0x0  }
0x27: {  	s30 =	simm.s32 $0xD0;
	[sflag:s11] =	ssyncadd.s32 $0xFFFFCE00  }
0x28: {  	[tilespmem:s14], [sflag:$0x1] =	stream.indirect.gather [hbm4b:s0+s13], $0x80, s30, s13, $0xb8;
	[tilespmem:$0x1F140] =	vst v63  }
0x29: {  	_ =	swait.ge [sflag:s18], $0x3200  }
0x2a: {  	[sflag:s18] =	ssyncset.done $0x0  }
0x2b: {  	s31 =	simm.s32 $0x2908;
	[sflag:s18] =	ssyncadd.s32 $0xFFFFCE00  }
0x2c: {  	[spmem:s3] =	stream.indirect.scatter.add.f32 [tilespmem:s16], [sflag:$0x3], $0x80, s31, s13, $0xb8;
	[tilespmem:$0x1F140] =	vst v63  }
0x2d: {  	_ =	swait.ge [sflag:s11], $0x3200  }
0x2e: {  	[sflag:s11] =	ssyncset.done $0x0  }
0x2f: {  	s24 =	simm.s32 $0x138;
	s23 =	simm.s32 $0x340;
	[sflag:s11] =	ssyncadd.s32 $0xFFFFCE00  }
.LBB2_2:
0x30: {  	[tilespmem:s16], [sflag:$0x2] =	stream.indirect.gather [hbm4b:s0+s13], $0x80, s24, s13, $0xb8;
	[tilespmem:$0x1F140] =	vst v63  }
0x31: {  	s24 =	smov.u32 s23  }
0x32: {  	p0 =	sne.s32 s23, $0x9C00;
	s23 =	sadd.s32 $0x340, s23;
	_ =	swait.ge [sflag:s17], $0x3200  }
0x33: {  	s24 =	sshra.s32 s24, $0x2;
	[sflag:s17] =	ssyncset.done $0x0  }
0x34: {  	s25 =	sadd.s32 $0x28A0, s24;
	[sflag:s17] =	ssyncadd.s32 $0xFFFFCE00  }
0x35: {  	[spmem:s3] =	stream.indirect.scatter.add.f32 [tilespmem:s14], [sflag:$0x3], $0x80, s25, s13, $0xb8;
	[tilespmem:$0x1F140] =	vst v63  }
0x36: {  	_ =	swait.ge [sflag:s11], $0x3200  }
0x37: {  	[sflag:s11] =	ssyncset.done $0x0  }
0x38: {  	s25 =	sadd.s32 $0xD0, s24;
	[sflag:s11] =	ssyncadd.s32 $0xFFFFCE00  }
0x39: {  	[tilespmem:s14], [sflag:$0x1] =	stream.indirect.gather [hbm4b:s0+s13], $0x80, s25, s13, $0xb8;
	[tilespmem:$0x1F140] =	vst v63  }
0x3a: {  	_ =	swait.ge [sflag:s18], $0x3200  }
0x3b: {  	[sflag:s18] =	ssyncset.done $0x0  }
.Ltmp0:
0x3c: {  	s25 =	sadd.s32 $0x2908, s24;
	[sflag:s18] =	ssyncadd.s32 $0xFFFFCE00;
	(pc) =	sbr.rel @p0 .LBB2_2-.Ltmp0, $4  }
0x3d: {  	[spmem:s3] =	stream.indirect.scatter.add.f32 [tilespmem:s16], [sflag:$0x3], $0x80, s25, s13, $0xb8;
	[tilespmem:$0x1F140] =	vst v63  }
0x3e: {  	_ =	swait.ge [sflag:s11], $0x3200  }
0x3f: {  	[sflag:s11] =	ssyncset.done $0x0  }
0x40: {  	s24 =	sadd.s32 $0x138, s24;
	[sflag:s11] =	ssyncadd.s32 $0xFFFFCE00  }
0x41: {  	[tilespmem:s16], [sflag:$0x2] =	stream.indirect.gather [hbm4b:s0+s13], $0x80, s24, s13, $0xb8;
	[tilespmem:$0x1F140] =	vst v63  }
0x42: {  	_ =	swait.ge [sflag:s17], $0x3200  }
0x43: {  	[sflag:s17] =	ssyncset.done $0x0  }
0x44: {  	[sflag:s17] =	ssyncadd.s32 $0xFFFFCE00  }
0x45: {  	[spmem:s3] =	stream.indirect.scatter.add.f32 [tilespmem:s14], [sflag:$0x3], $0x80, s19, s13, $0xb8;
	[tilespmem:$0x1F140] =	vst v63  }
0x46: {  	_ =	swait.ge [sflag:s11], $0x3200  }
0x47: {  	[sflag:s11] =	ssyncset.done $0x0  }
0x48: {  	[sflag:s11] =	ssyncadd.s32 $0xFFFFCE00  }
0x49: {  	_ =	swait.ge [sflag:s18], $0x3200  }
0x4a: {  	[sflag:s18] =	ssyncset.done $0x0  }
0x4b: {  	[sflag:s18] =	ssyncadd.s32 $0xFFFFCE00  }
0x4c: {  	[spmem:s3] =	stream.indirect.scatter.add.f32 [tilespmem:s16], [sflag:$0x3], $0x80, s20, s13, $0xb8;
	[tilespmem:$0x1F140] =	vst v63  }
0x4d: {  	_ =	swait.ge [sflag:s11], $0x3200  }
0x4e: {  	s22 =	sadd.s32 $0x1, s22;
	[sflag:s11] =	ssyncset.done $0x0  }
0x4f: {  	p0 =	sne.s32 s22, s9;
	[sflag:s11] =	ssyncadd.s32 $0xFFFFCE00  }
.Ltmp1:
0x50: {  	[bflag:$0x0] =	sbarrier.arrive $0xFFFF;
	(pc) =	sbr.rel @p0 .LBB2_1-.Ltmp1, $4  }
0x51: {  	[hbm:s21], [sflag:s6] =	dma.local [spmem:s10], $0x2780  }
0x52: {  	_ =	swait.ge [sflag:s11], $0x2780  }
0x53: {  	[sflag:s11] =	ssyncset.done $0x0  }
0x54: {  	[sflag:s11] =	ssyncadd.s32 $0xFFFFD880  }
0x55: {  	_ =	sfence.sel $0x180000  }
0x56: {  	[bflag:$0x0] =	sbarrier.arrive $0xFFFF  }
0x57: {  	p0 =	sne.s32 s1, $0x0;
	_ =	strace $0x9000004A  }
0x58: {  	s0 =	sadd.s32 @!p0 $0x100000, s2;
	[bflag:$0x2] =	sbarrier.arrive $0xFFFF  }
0x59: {  	[sflag:s0] =	ssyncadd.tile.s32 @!p0 $0x1;
	_ =	shalt  }
.Lfunc_end2:
_tile_overlayer_lowered:
.L_overlay_start_2:
0x5a: {  	(tag) =	ssettag $0x2  }
0x5b: {  	s0 =	rddreg [dreg:$0x0];
	s2 =	stileid.u32  }
0x5c: {  	s1 =	rddreg [dreg:$0x1];
	p0 =	sne.s32 s2, $0x0  }
0x5d: {  	s3 =	rddreg [dreg:$0x2];
	[bflag:$0x3] =	sbarrier.arrive $0xFFFF;
	s2 =	simm.s32 @!p0 $0x1C03  }
0x5e: {  	[timem:s3], [sflag:s2] =	dma.local @!p0 [hbm:s0], s1  }
0x5f: {  	s0 =	simm.s32 @!p0 $0x3  }
0x60: {  	_ =	swait.ge @!p0 [sflag:s0], s1  }
0x61: {  	s1 =	ssub.s32 @!p0 $0x0, s1;
	[sflag:s0] =	ssyncset.done @!p0 $0x0  }
0x62: {  	[sflag:s0] =	ssyncadd.s32 @!p0 s1  }
0x63: {  	[bflag:$0x3] =	sbarrier.arrive $0xFFFF  }
0x64: {  	_ =	shalt  }

// kernel: kernel.13.cloned.1.call-start
scs
__scs_entry_jumppad:
0x0: {  	(pc) =	sbr.rel $0x88, $3  }
0x1: {  	(tag) =	ssettag $0x0;
	lr =	simm.s32 $0x1  }
0x2: {  	[smem:$0x3F98] =	sst lr;
	_ =	strace $0xD0000000  }
0x3: {  	_ = 	snop  }
0x4: {  	_ = 	snop  }
0x5: {  	_ = 	snop  }
0x6: {  	_ = 	snop  }
0x7: {  	_ = 	snop  }
__scs_overlays_trampoline_lowered:
0x8: {  	[smem:$0x3FA7] =	sst s0  }
0x9: {  	[smem:$0x3FA8] =	sst s1  }
0xa: {  	[smem:$0x3FA9] =	sst s2  }
0xb: {  	[smem:$0x3FAA] =	sst s3  }
0xc: {  	[smem:$0x3FAB] =	sst s4  }
0xd: {  	[smem:$0x3FAC] =	sst s5  }
0xe: {  	[smem:$0x3FAD] =	sst s6  }
0xf: {  	[smem:$0x3FAE] =	sst s7  }
0x10: {  	[smem:$0x3FAF] =	sst s8  }
0x11: {  	[smem:$0x3FB0] =	sst s9;
	s0 =	simm.s32 @!p0 $0x0  }
0x12: {  	s1 =	sld [smem:$0x3F96];
	s0 =	simm.s32 @p0 $0x1  }
0x13: {  	[smem:$0x3FB1] =	sst s0;
	s0 =	simm.s32 @!p1 $0x0  }
0x14: {  	s2 =	sld [smem:$0x3F95];
	s0 =	simm.s32 @p1 $0x1  }
0x15: {  	[smem:$0x3FB2] =	sst s0;
	s0 =	simm.s32 @!p2 $0x0  }
0x16: {  	s3 =	sld [smem:$0x3FDB];
	s0 =	simm.s32 @p2 $0x1  }
0x17: {  	s4 =	simm.s32 $0x1BF5;
	[smem:$0x3FB4] =	sst s0  }
0x18: {  	s0 =	sld [smem:$0x3F97];
	_ =	swait.ge [sflag:s4], $0x0  }
0x19: {  	s7 =	sld [smem:$0x3F98]  }
0x1a: {  	s8 =	sadd.s32 $0xFFFFE003, lr  }
0x1b: {  	s9 =	sadd.s32 $0xFFFFFEF7, lr;
	s5 =	simm.s32 $0xFFFFFFFF;
	p2 =	slt.u32 s8, $0xFFFFF086  }
0x1c: {  	p1 =	slt.u32 s9, $0xF7A;
	s5 =	simm.s32 @!p2 $0x0  }
0x1d: {  	s5 =	simm.s32 @p1 $0x1;
	p0 =	seq.s32 s7, s2  }
0x1e: {  	s7 =	smul.u32 @!p0 $0xF7A, s2;
	p2 =	seq.s32 @!p0 s5, $0x0  }
0x1f: {  	s9 =	smul.u32 $0xF7A, s1;
	s8 =	simm.s32 @!p0 $0x1BF5;
	p2 =	por !p2, p0  }
0x20: {  	[sflag:s8] =	ssyncset.s32 @!p0 $0xFFFFF086;
	s6 =	sadd.s32 @!p0 s3, s7;
	s7 =	simm.s32 @!p0 $0x108  }
0x21: {  	s3 =	sadd.s32 s3, s9;
	s6 =	sadd.s32 @!p0 $0x88, s6;
	s7 =	simm.s32 @p2 $0x1082  }
0x22: {  	[simem:s7], [sflag:s8] =	dma.local @!p0 [hbm:s6], $0xF7A  }
0x23: {  	s9 =	sor.u32 $0xD0000000, s2;
	s6 =	simm.s32 $0x108;
	_ =	swait.ge @!p0 [sflag:s8], $0x0  }
0x24: {  	s3 =	sadd.s32 $0x88, s3;
	s6 =	simm.s32 @!p1 $0x1082;
	[sflag:s4] =	ssyncset.s32 $0xFFFFF086  }
0x25: {  	[simem:s6], [sflag:s4] =	dma.local [hbm:s3], $0xF7A  }
0x26: {  	[smem:$0x3F98] =	sst s1;
	(tag) =	ssettag s2;
	_ =	strace s9  }
0x27: {  	s1 =	sld [smem:$0x3FA8]  }
0x28: {  	s2 =	sld [smem:$0x3FA9]  }
0x29: {  	s4 =	sld [smem:$0x3FAB]  }
0x2a: {  	p0 =	seq.s32 s5, $0x0;
	s5 =	sld [smem:$0x3FAC]  }
0x2b: {  	s6 =	sld [smem:$0x3FAD]  }
0x2c: {  	s7 =	sld [smem:$0x3FAE]  }
0x2d: {  	s3 =	simm.s32 $0x108;
	s8 =	sld [smem:$0x3FAF]  }
0x2e: {  	s3 =	simm.s32 @!p0 $0x1082;
	s9 =	sld [smem:$0x3FB0]  }
0x2f: {  	lr =	sadd.s32 s0, s3;
	s0 =	sld [smem:$0x3FA7]  }
0x30: {  	s3 =	sld [smem:$0x3FAA]  }
0x31: {  	[smem:$0x3FB3] =	sst s10  }
0x32: {  	s10 =	sld [smem:$0x3FB1];
	_ =	sdelay $0x3  }
0x33: {  	p0 =	seq.s32 s10, $0x1;
	s10 =	sld [smem:$0x3FB3];
	_ =	sdelay $0x3  }
0x34: {  	[smem:$0x3FB3] =	sst s10  }
0x35: {  	s10 =	sld [smem:$0x3FB2];
	_ =	sdelay $0x3  }
0x36: {  	p1 =	seq.s32 s10, $0x1;
	s10 =	sld [smem:$0x3FB3];
	_ =	sdelay $0x3  }
0x37: {  	[smem:$0x3FB3] =	sst s10  }
0x38: {  	s10 =	sld [smem:$0x3FB4]  }
0x39: {  	_ = 	snop;
	(pc) =	sbr.ind lr, $3  }
0x3a: {  	_ = 	snop  }
0x3b: {  	_ = 	snop  }
0x3c: {  	p2 =	seq.s32 s10, $0x1;
	s10 =	sld [smem:$0x3FB3]  }
0x3d: {  	_ =	shalt  }
0x3e: {  	_ =	shalt  }
0x3f: {  	_ =	shalt  }
0x40: {  	_ =	shalt  }
0x41: {  	_ =	shalt  }
0x42: {  	_ =	shalt  }
0x43: {  	_ =	shalt  }
0x44: {  	_ =	shalt  }
0x45: {  	_ =	shalt  }
0x46: {  	_ =	shalt  }
0x47: {  	_ =	shalt  }
0x48: {  	_ =	shalt  }
0x49: {  	_ =	shalt  }
0x4a: {  	_ =	shalt  }
0x4b: {  	_ =	shalt  }
0x4c: {  	_ =	shalt  }
0x4d: {  	_ =	shalt  }
0x4e: {  	_ =	shalt  }
0x4f: {  	_ =	shalt  }
0x50: {  	_ =	shalt  }
0x51: {  	_ =	shalt  }
0x52: {  	_ =	shalt  }
0x53: {  	_ =	shalt  }
0x54: {  	_ =	shalt  }
0x55: {  	_ =	shalt  }
0x56: {  	_ =	shalt  }
0x57: {  	_ =	shalt  }
0x58: {  	_ =	shalt  }
0x59: {  	_ =	shalt  }
0x5a: {  	_ =	shalt  }
0x5b: {  	_ =	shalt  }
0x5c: {  	_ =	shalt  }
0x5d: {  	_ =	shalt  }
0x5e: {  	_ =	shalt  }
0x5f: {  	_ =	shalt  }
0x60: {  	_ =	shalt  }
0x61: {  	_ =	shalt  }
0x62: {  	_ =	shalt  }
0x63: {  	_ =	shalt  }
0x64: {  	_ =	shalt  }
0x65: {  	_ =	shalt  }
0x66: {  	_ =	shalt  }
0x67: {  	_ =	shalt  }
0x68: {  	_ =	shalt  }
0x69: {  	_ =	shalt  }
0x6a: {  	_ =	shalt  }
0x6b: {  	_ =	shalt  }
0x6c: {  	_ =	shalt  }
0x6d: {  	_ =	shalt  }
0x6e: {  	_ =	shalt  }
0x6f: {  	_ =	shalt  }
0x70: {  	_ =	shalt  }
0x71: {  	_ =	shalt  }
0x72: {  	_ =	shalt  }
0x73: {  	_ =	shalt  }
0x74: {  	_ =	shalt  }
0x75: {  	_ =	shalt  }
0x76: {  	_ =	shalt  }
0x77: {  	_ =	shalt  }
0x78: {  	_ =	shalt  }
0x79: {  	_ =	shalt  }
0x7a: {  	_ =	shalt  }
0x7b: {  	_ =	shalt  }
0x7c: {  	_ =	shalt  }
0x7d: {  	_ =	shalt  }
0x7e: {  	_ =	shalt  }
0x7f: {  	_ =	shalt  }
0x80: {  	_ =	shalt  }
0x81: {  	_ =	shalt  }
0x82: {  	_ =	shalt  }
0x83: {  	_ =	shalt  }
0x84: {  	_ =	shalt  }
0x85: {  	_ =	shalt  }
0x86: {  	_ =	shalt  }
0x87: {  	_ =	shalt  }
.Lfunc_end0:
.L_simem_size_0:
called_computation.2_lowered:
.L_overlay_start_0:
0x88: {  	s2 =	sld [smem:$0x3FD9]  }
0x89: {  	s3 =	sld [smem:$0x3FFE];
	_ =	sdelay $0x1  }
0x8a: {  	s1 =	srdreg.scid  }
0x8b: {  	s0 =	sand.u32 $0x1, s1  }
0x8c: {  	s17 =	sshll.u32 s0, $0xA;
	s2 =	sadd.s32 s3, s2  }
0x8d: {  	s2 =	sadd.s32 s2, s17  }
0x8e: {  	[smem:$0x3FBF] =	sst s2  }
0x8f: {  	_ = 	snop  }
0x90: {  	s2 =	sld [smem:$0x3FD0];
	(tm) =	ssettm $0x1  }
0x91: {  	s18 =	sld [smem:$0x3FFB];
	_ =	sdelay $0x3  }
0x92: {  	_ =	strace s18  }
0x93: {  	s3 =	sld [smem:$0x3FFC];
	_ =	sdelay $0x3  }
0x94: {  	_ =	strace s3  }
0x95: {  	s3 =	sld [smem:$0x3FFD];
	_ =	sdelay $0x3  }
0x96: {  	_ =	strace s3  }
0x97: {  	_ =	strace $0x8FFFFFFF  }
0x98: {  	s19 =	sld [smem:$0x3FDB];
	_ =	sdelay $0x1  }
0x99: {  	s4 =	simm.s32 $_scs_section_size  }
0x9a: {  	s5 =	simm.s32 $_size__tile_overlayer_lowered;
	s6 =	simm.s32 $_tile_overlayer_lowered  }
0x9b: {  	s22 =	simm.s32 $0x1BFF;
	s21 =	sshll.u32 s6, $0x1;
	s3 =	sadd.s32 s4, s19  }
0x9c: {  	s7 =	simm.s32 $0x0;
	s20 =	sshll.u32 s5, $0x1;
	s5 =	sadd.s32 s21, s3  }
0x9d: {  	[timem:s7], [sflag:s22] =	dma.local [hbm:s5], s20  }
0x9e: {  	_ =	swait.ge [sflag:s22], s20  }
0x9f: {  	s4 =	ssub.s32 $0x0, s20;
	[sflag:s22] =	ssyncset.done $0x0  }
0xa0: {  	[sflag:s22] =	ssyncadd.s32 s4;
	_ =	sdelay $0x1  }
0xa1: {  	s23 =	simm.s32 $0x1B8B  }
0xa2: {  	_ =	swait.ge [sflag:s23], $0x1  }
0xa3: {  	[sflag:s23] =	ssyncset.done $0x0  }
0xa4: {  	s25 =	simm.s32 $0x1B8E;
	s24 =	sld [smem:$0x3FFE];
	[sflag:s23] =	ssyncadd.s32 $0xFFFFFFFF  }
0xa5: {  	s26 =	simm.s32 $execute0_lowered;
	[smem:$0x3FD2] =	sst s25  }
0xa6: {  	s5 =	sshll.u32 s26, $0x1;
	_ =	strace $0x8000004C;
	[dreg:$0x1] =	wrdreg $0xFFFFFFFF  }
0xa7: {  	s28 =	simm.s32 $_size_execute0_lowered;
	s3 =	sadd.s32 s3, s5;
	[dreg:$0x0] =	wrdreg $0x0  }
0xa8: {  	s5 =	sshll.u32 s28, $0x1;
	[dreg:$0x2] =	wrdreg s3  }
0xa9: {  	[dreg:$0x3] =	wrdreg s5  }
0xaa: {  	[dreg:$0x4] =	wrdreg $0xC0  }
0xab: {  	_ =	task [dreg:s7], $0x5FFFF  }
0xac: {  	[dreg:$0x1] =	wrdreg $0xFFFFFFFF  }
0xad: {  	[dreg:$0x0] =	wrdreg $0x60  }
0xae: {  	[dreg:$0x2] =	wrdreg s2  }
0xaf: {  	[dreg:$0x3] =	wrdreg s24  }
0xb0: {  	[dreg:$0x4] =	wrdreg $0x8E800  }
0xb1: {  	[dreg:$0x5] =	wrdreg $0x9  }
0xb2: {  	_ =	task.clear_ibuf [dreg:s7], $0x6FFFF;
	_ =	strace $0x9000004C  }
0xb3: {  	s29 =	simm.s32 $0x9;
	_ =	strace $0x8000004E  }
0xb4: {  	_ =	swait.ge [sflag:s29], $0x1  }
0xb5: {  	[sflag:s29] =	ssyncadd.s32 $0xFFFFFFFF  }
0xb6: {  	_ =	strace $0x9000004E  }
0xb7: {  	_ =	sfence  }
0xb8: {  	s30 =	sld [smem:$0x0];
	_ =	sdelay $0x2  }
0xb9: {  	s31 =	sshll.u32 s1, $0xD;
	s1 =	sshrl.u32 s1, $0x2  }
0xba: {  	s3 =	sand.u32 $0x4000, s31;
	s1 =	sadd.s32 s1, s30  }
0xbb: {  	s0 =	sor.u32 s3, s0;
	s1 =	sshll.u32 s1, $0x11  }
0xbc: {  	s0 =	sor.u32 s1, s0  }
0xbd: {  	s0 =	sadd.s32 $0x8F2B, s0  }
0xbe: {  	[sflag:s0] =	ssyncadd.remote.s32 $0x1  }
0xbf: {  	_ =	sfence.sel $0xFFFF  }
0xc0: {  	[dreg:$0x0] =	wrdreg $0xFFFFFFFF;
	(pc) =	sbr.abs _section_cstart, $3  }
0xc1: {  	[dreg:$0x1] =	wrdreg $0xFFFFFFFF  }
0xc2: {  	_ =	task.clear_ibuf [dreg:s7], $0x2FFFF;
	_ =	strace $0x9FFFFFFF  }
0xc3: {  	(tm) =	ssettm $0x7FFFFFFF  }
tec
execute0_lowered:
.L_overlay_start_1:
0x0: {  	(tag) =	ssettag $0x1  }
0x1: {  	s1 =	rddreg [dreg:$0x0]  }
0x2: {  	s0 =	srdreg.scid;
	s7 =	rddreg [dreg:$0x1]  }
0x3: {  	s3 =	rddreg [dreg:$0x2];
	s4 =	simm.s32 $0x0;
	s14 =	simm.s32 $0x5000  }
0x4: {  	s15 =	simm.s32 $0x80;
	s16 =	simm.s32 $0x6F40;
	s17 =	simm.s32 $0x1  }
0x5: {  	s18 =	simm.s32 $0x2;
	s19 =	simm.s32 $0x4F00;
	s20 =	simm.s32 $0x4F80  }
0x6: {  	s6 =	sand.u32 $0x1, s0;
	s0 =	stileid.u32;
	[smem:$0x7FF] =	sst s4  }
0x7: {  	s2 =	sshll.u32 s6, $0x4;
	s9 =	smul.u32 $0x13C00, s6;
	s6 =	ssub.s32 $0x2, s6  }
0x8: {  	s10 =	smul.u32 $0x9E00, s0;
	s11 =	sshll.u32 s0, $0x6;
	s5 =	sor.u32 s0, s2  }
0x9: {  	s2 =	rddreg [dreg:$0x3];
	_ =	strace $0x8000004D;
	s31 =	sshrl.u32 s6, $0x1  }
0xa: {  	s5 =	smul.u32 $0x500, s5;
	s9 =	sadd.s32 s9, s7;
	s12 =	ssub.s32 s6, s31  }
0xb: {  	s13 =	sadd.s32 s10, s3;
	s6 =	sor.u32 $0x1C03, s11;
	s22 =	sshrl.u32 s10, $0x3  }
0xc: {  	s11 =	simm.s32 $0x3;
	s21 =	sadd.s32 $0xD200, s9;
	s9 =	smax.u32 s12, $0x1  }
0xd: {  	s10 =	sshrl.u32 s13, $0x3;
	s12 =	simm.s32 $0x2800;
	s13 =	simm.s32 $0x7D  }
0xe: {  	s8 =	sadd.s32 s5, s7;
	s5 =	sadd.s32 $0xBE00, s7;
	s21 =	sadd.s32 s22, s21  }
0xf: {  	s22 =	simm.s32 $0x0;
	s7 =	sadd.s32 $0x6D000, s8;
	s8 =	sadd.s32 $0x1E00, s8  }
.LBB2_1:
0x10: {  	[spmem:s10], [sflag:s6] =	dma.local [hbm:s5], $0x13C0  }
0x11: {  	_ =	swait.ge [sflag:s11], $0x13C0  }
0x12: {  	[sflag:s11] =	ssyncset.done $0x0  }
0x13: {  	[sflag:s11] =	ssyncadd.s32 $0xFFFFEC40  }
0x14: {  	[tilespmem:s4], [sflag:$0x3] =	stream.linear.gather [hbm4b:s7+s4], $0x2800, $0x38;
	[tilespmem:$0x12C80] =	vst v63  }
0x15: {  	_ =	swait.ge [sflag:s11], $0x2800  }
0x16: {  	[sflag:s11] =	ssyncset.done $0x0  }
0x17: {  	[sflag:s11] =	ssyncadd.s32 $0xFFFFD800  }
0x18: {  	[tilespmem:s12], [sflag:$0x3] =	stream.linear.gather [hbm4b:s8+s4], $0x2800, $0x38;
	[tilespmem:$0x12C80] =	vst v63  }
0x19: {  	_ =	swait.ge [sflag:s11], $0x2800  }
0x1a: {  	[sflag:s11] =	ssyncset.done $0x0  }
0x1b: {  	[sflag:s11] =	ssyncadd.s32 $0xFFFFD800  }
0x1c: {  	[bflag:$0x0] =	sbarrier.arrive $0xFFFF  }
0x1d: {  	[tilespmem:s14], [sflag:$0x1] =	stream.indirect.gather [hbm4b:s1+s13], $0x40, s4, s13, $0xb8;
	[tilespmem:$0x12C80] =	vst v63  }
0x1e: {  	_ = 	snop  }
0x1f: {  	[tilespmem:s16], [sflag:$0x2] =	stream.indirect.gather [hbm4b:s1+s13], $0x40, s15, s13, $0xb8;
	[tilespmem:$0x12C80] =	vst v63  }
0x20: {  	_ =	swait.ge [sflag:s17], $0x1F40  }
0x21: {  	[sflag:s17] =	ssyncset.done $0x0  }
0x22: {  	s23 =	simm.s32 $0x2800;
	[sflag:s17] =	ssyncadd.s32 $0xFFFFE0C0  }
0x23: {  	[spmem:s3] =	stream.indirect.scatter.add.f32 [tilespmem:s14], [sflag:$0x3], $0x40, s23, s13, $0xb8;
	[tilespmem:$0x12C80] =	vst v63  }
0x24: {  	_ =	swait.ge [sflag:s11], $0x1F40  }
0x25: {  	[sflag:s11] =	ssyncset.done $0x0  }
0x26: {  	s30 =	simm.s32 $0x100;
	[sflag:s11] =	ssyncadd.s32 $0xFFFFE0C0  }
0x27: {  	[tilespmem:s14], [sflag:$0x1] =	stream.indirect.gather [hbm4b:s1+s13], $0x40, s30, s13, $0xb8;
	[tilespmem:$0x12C80] =	vst v63  }
0x28: {  	_ =	swait.ge [sflag:s18], $0x1F40  }
0x29: {  	[sflag:s18] =	ssyncset.done $0x0  }
0x2a: {  	s31 =	simm.s32 $0x2880;
	[sflag:s18] =	ssyncadd.s32 $0xFFFFE0C0  }
0x2b: {  	[spmem:s3] =	stream.indirect.scatter.add.f32 [tilespmem:s16], [sflag:$0x3], $0x40, s31, s13, $0xb8;
	[tilespmem:$0x12C80] =	vst v63  }
0x2c: {  	_ =	swait.ge [sflag:s11], $0x1F40  }
0x2d: {  	[sflag:s11] =	ssyncset.done $0x0  }
0x2e: {  	s24 =	simm.s32 $0x180;
	s23 =	simm.s32 $0x400;
	[sflag:s11] =	ssyncadd.s32 $0xFFFFE0C0  }
.LBB2_2:
0x2f: {  	[tilespmem:s16], [sflag:$0x2] =	stream.indirect.gather [hbm4b:s1+s13], $0x40, s24, s13, $0xb8;
	[tilespmem:$0x12C80] =	vst v63  }
0x30: {  	s24 =	smov.u32 s23  }
0x31: {  	p0 =	sne.s32 s23, $0x9800;
	s23 =	sadd.s32 $0x400, s23;
	_ =	swait.ge [sflag:s17], $0x1F40  }
0x32: {  	s24 =	sshra.s32 s24, $0x2;
	[sflag:s17] =	ssyncset.done $0x0  }
0x33: {  	s25 =	sadd.s32 $0x2800, s24;
	[sflag:s17] =	ssyncadd.s32 $0xFFFFE0C0  }
0x34: {  	[spmem:s3] =	stream.indirect.scatter.add.f32 [tilespmem:s14], [sflag:$0x3], $0x40, s25, s13, $0xb8;
	[tilespmem:$0x12C80] =	vst v63  }
0x35: {  	_ =	swait.ge [sflag:s11], $0x1F40  }
0x36: {  	[sflag:s11] =	ssyncset.done $0x0  }
0x37: {  	s25 =	sadd.s32 $0x100, s24;
	[sflag:s11] =	ssyncadd.s32 $0xFFFFE0C0  }
0x38: {  	[tilespmem:s14], [sflag:$0x1] =	stream.indirect.gather [hbm4b:s1+s13], $0x40, s25, s13, $0xb8;
	[tilespmem:$0x12C80] =	vst v63  }
0x39: {  	_ =	swait.ge [sflag:s18], $0x1F40  }
0x3a: {  	[sflag:s18] =	ssyncset.done $0x0  }
.Ltmp0:
0x3b: {  	s25 =	sadd.s32 $0x2880, s24;
	[sflag:s18] =	ssyncadd.s32 $0xFFFFE0C0;
	(pc) =	sbr.rel @p0 .LBB2_2-.Ltmp0, $4  }
0x3c: {  	[spmem:s3] =	stream.indirect.scatter.add.f32 [tilespmem:s16], [sflag:$0x3], $0x40, s25, s13, $0xb8;
	[tilespmem:$0x12C80] =	vst v63  }
0x3d: {  	_ =	swait.ge [sflag:s11], $0x1F40  }
0x3e: {  	[sflag:s11] =	ssyncset.done $0x0  }
0x3f: {  	s24 =	sadd.s32 $0x180, s24;
	[sflag:s11] =	ssyncadd.s32 $0xFFFFE0C0  }
0x40: {  	[tilespmem:s16], [sflag:$0x2] =	stream.indirect.gather [hbm4b:s1+s13], $0x40, s24, s13, $0xb8;
	[tilespmem:$0x12C80] =	vst v63  }
0x41: {  	_ =	swait.ge [sflag:s17], $0x1F40  }
0x42: {  	[sflag:s17] =	ssyncset.done $0x0  }
0x43: {  	[sflag:s17] =	ssyncadd.s32 $0xFFFFE0C0  }
0x44: {  	[spmem:s3] =	stream.indirect.scatter.add.f32 [tilespmem:s14], [sflag:$0x3], $0x40, s19, s13, $0xb8;
	[tilespmem:$0x12C80] =	vst v63  }
0x45: {  	_ =	swait.ge [sflag:s11], $0x1F40  }
0x46: {  	[sflag:s11] =	ssyncset.done $0x0  }
0x47: {  	[sflag:s11] =	ssyncadd.s32 $0xFFFFE0C0  }
0x48: {  	_ =	swait.ge [sflag:s18], $0x1F40  }
0x49: {  	[sflag:s18] =	ssyncset.done $0x0  }
0x4a: {  	[sflag:s18] =	ssyncadd.s32 $0xFFFFE0C0  }
0x4b: {  	[spmem:s3] =	stream.indirect.scatter.add.f32 [tilespmem:s16], [sflag:$0x3], $0x40, s20, s13, $0xb8;
	[tilespmem:$0x12C80] =	vst v63  }
0x4c: {  	_ =	swait.ge [sflag:s11], $0x1F40  }
0x4d: {  	s22 =	sadd.s32 $0x1, s22;
	[sflag:s11] =	ssyncset.done $0x0  }
0x4e: {  	p0 =	sne.s32 s22, s9;
	[sflag:s11] =	ssyncadd.s32 $0xFFFFE0C0  }
.Ltmp1:
0x4f: {  	[bflag:$0x0] =	sbarrier.arrive $0xFFFF;
	(pc) =	sbr.rel @p0 .LBB2_1-.Ltmp1, $4  }
0x50: {  	[hbm:s21], [sflag:s6] =	dma.local [spmem:s10], $0x13C0  }
0x51: {  	_ =	swait.ge [sflag:s11], $0x13C0  }
0x52: {  	[sflag:s11] =	ssyncset.done $0x0  }
0x53: {  	[sflag:s11] =	ssyncadd.s32 $0xFFFFEC40  }
0x54: {  	_ =	sfence.sel $0x180000  }
0x55: {  	[bflag:$0x0] =	sbarrier.arrive $0xFFFF  }
0x56: {  	p0 =	sne.s32 s0, $0x0;
	_ =	strace $0x9000004D  }
0x57: {  	s0 =	sadd.s32 @!p0 $0x100000, s2;
	[bflag:$0x2] =	sbarrier.arrive $0xFFFF  }
0x58: {  	[sflag:s0] =	ssyncadd.tile.s32 @!p0 $0x1;
	_ =	shalt  }
.Lfunc_end2:
_tile_overlayer_lowered:
.L_overlay_start_2:
0x59: {  	(tag) =	ssettag $0x2  }
0x5a: {  	s0 =	rddreg [dreg:$0x0];
	s2 =	stileid.u32  }
0x5b: {  	s1 =	rddreg [dreg:$0x1];
	p0 =	sne.s32 s2, $0x0  }
0x5c: {  	s3 =	rddreg [dreg:$0x2];
	[bflag:$0x3] =	sbarrier.arrive $0xFFFF;
	s2 =	simm.s32 @!p0 $0x1C03  }
0x5d: {  	[timem:s3], [sflag:s2] =	dma.local @!p0 [hbm:s0], s1  }
0x5e: {  	s0 =	simm.s32 @!p0 $0x3  }
0x5f: {  	_ =	swait.ge @!p0 [sflag:s0], s1  }
0x60: {  	s1 =	ssub.s32 @!p0 $0x0, s1;
	[sflag:s0] =	ssyncset.done @!p0 $0x0  }
0x61: {  	[sflag:s0] =	ssyncadd.s32 @!p0 s1  }
0x62: {  	[bflag:$0x3] =	sbarrier.arrive $0xFFFF  }
0x63: {  	_ =	shalt  }

// kernel: kernel.7.cloned.1.call-start
scs
__scs_entry_jumppad:
0x0: {  	(pc) =	sbr.rel $0x88, $3  }
0x1: {  	(tag) =	ssettag $0x0;
	lr =	simm.s32 $0x1  }
0x2: {  	[smem:$0x3F98] =	sst lr;
	_ =	strace $0xD0000000  }
0x3: {  	_ = 	snop  }
0x4: {  	_ = 	snop  }
0x5: {  	_ = 	snop  }
0x6: {  	_ = 	snop  }
0x7: {  	_ = 	snop  }
__scs_overlays_trampoline_lowered:
0x8: {  	[smem:$0x3FA7] =	sst s0  }
0x9: {  	[smem:$0x3FA8] =	sst s1  }
0xa: {  	[smem:$0x3FA9] =	sst s2  }
0xb: {  	[smem:$0x3FAA] =	sst s3  }
0xc: {  	[smem:$0x3FAB] =	sst s4  }
0xd: {  	[smem:$0x3FAC] =	sst s5  }
0xe: {  	[smem:$0x3FAD] =	sst s6  }
0xf: {  	[smem:$0x3FAE] =	sst s7  }
0x10: {  	[smem:$0x3FAF] =	sst s8  }
0x11: {  	[smem:$0x3FB0] =	sst s9;
	s0 =	simm.s32 @!p0 $0x0  }
0x12: {  	s1 =	sld [smem:$0x3F96];
	s0 =	simm.s32 @p0 $0x1  }
0x13: {  	[smem:$0x3FB1] =	sst s0;
	s0 =	simm.s32 @!p1 $0x0  }
0x14: {  	s2 =	sld [smem:$0x3F95];
	s0 =	simm.s32 @p1 $0x1  }
0x15: {  	[smem:$0x3FB2] =	sst s0;
	s0 =	simm.s32 @!p2 $0x0  }
0x16: {  	s3 =	sld [smem:$0x3FDB];
	s0 =	simm.s32 @p2 $0x1  }
0x17: {  	s4 =	simm.s32 $0x1BF5;
	[smem:$0x3FB4] =	sst s0  }
0x18: {  	s0 =	sld [smem:$0x3F97];
	_ =	swait.ge [sflag:s4], $0x0  }
0x19: {  	s7 =	sld [smem:$0x3F98]  }
0x1a: {  	s8 =	sadd.s32 $0xFFFFE003, lr  }
0x1b: {  	s9 =	sadd.s32 $0xFFFFFEF7, lr;
	s5 =	simm.s32 $0xFFFFFFFF;
	p2 =	slt.u32 s8, $0xFFFFF086  }
0x1c: {  	p1 =	slt.u32 s9, $0xF7A;
	s5 =	simm.s32 @!p2 $0x0  }
0x1d: {  	s5 =	simm.s32 @p1 $0x1;
	p0 =	seq.s32 s7, s2  }
0x1e: {  	s7 =	smul.u32 @!p0 $0xF7A, s2;
	p2 =	seq.s32 @!p0 s5, $0x0  }
0x1f: {  	s9 =	smul.u32 $0xF7A, s1;
	s8 =	simm.s32 @!p0 $0x1BF5;
	p2 =	por !p2, p0  }
0x20: {  	[sflag:s8] =	ssyncset.s32 @!p0 $0xFFFFF086;
	s6 =	sadd.s32 @!p0 s3, s7;
	s7 =	simm.s32 @!p0 $0x108  }
0x21: {  	s3 =	sadd.s32 s3, s9;
	s6 =	sadd.s32 @!p0 $0x88, s6;
	s7 =	simm.s32 @p2 $0x1082  }
0x22: {  	[simem:s7], [sflag:s8] =	dma.local @!p0 [hbm:s6], $0xF7A  }
0x23: {  	s9 =	sor.u32 $0xD0000000, s2;
	s6 =	simm.s32 $0x108;
	_ =	swait.ge @!p0 [sflag:s8], $0x0  }
0x24: {  	s3 =	sadd.s32 $0x88, s3;
	s6 =	simm.s32 @!p1 $0x1082;
	[sflag:s4] =	ssyncset.s32 $0xFFFFF086  }
0x25: {  	[simem:s6], [sflag:s4] =	dma.local [hbm:s3], $0xF7A  }
0x26: {  	[smem:$0x3F98] =	sst s1;
	(tag) =	ssettag s2;
	_ =	strace s9  }
0x27: {  	s1 =	sld [smem:$0x3FA8]  }
0x28: {  	s2 =	sld [smem:$0x3FA9]  }
0x29: {  	s4 =	sld [smem:$0x3FAB]  }
0x2a: {  	p0 =	seq.s32 s5, $0x0;
	s5 =	sld [smem:$0x3FAC]  }
0x2b: {  	s6 =	sld [smem:$0x3FAD]  }
0x2c: {  	s7 =	sld [smem:$0x3FAE]  }
0x2d: {  	s3 =	simm.s32 $0x108;
	s8 =	sld [smem:$0x3FAF]  }
0x2e: {  	s3 =	simm.s32 @!p0 $0x1082;
	s9 =	sld [smem:$0x3FB0]  }
0x2f: {  	lr =	sadd.s32 s0, s3;
	s0 =	sld [smem:$0x3FA7]  }
0x30: {  	s3 =	sld [smem:$0x3FAA]  }
0x31: {  	[smem:$0x3FB3] =	sst s10  }
0x32: {  	s10 =	sld [smem:$0x3FB1];
	_ =	sdelay $0x3  }
0x33: {  	p0 =	seq.s32 s10, $0x1;
	s10 =	sld [smem:$0x3FB3];
	_ =	sdelay $0x3  }
0x34: {  	[smem:$0x3FB3] =	sst s10  }
0x35: {  	s10 =	sld [smem:$0x3FB2];
	_ =	sdelay $0x3  }
0x36: {  	p1 =	seq.s32 s10, $0x1;
	s10 =	sld [smem:$0x3FB3];
	_ =	sdelay $0x3  }
0x37: {  	[smem:$0x3FB3] =	sst s10  }
0x38: {  	s10 =	sld [smem:$0x3FB4]  }
0x39: {  	_ = 	snop;
	(pc) =	sbr.ind lr, $3  }
0x3a: {  	_ = 	snop  }
0x3b: {  	_ = 	snop  }
0x3c: {  	p2 =	seq.s32 s10, $0x1;
	s10 =	sld [smem:$0x3FB3]  }
0x3d: {  	_ =	shalt  }
0x3e: {  	_ =	shalt  }
0x3f: {  	_ =	shalt  }
0x40: {  	_ =	shalt  }
0x41: {  	_ =	shalt  }
0x42: {  	_ =	shalt  }
0x43: {  	_ =	shalt  }
0x44: {  	_ =	shalt  }
0x45: {  	_ =	shalt  }
0x46: {  	_ =	shalt  }
0x47: {  	_ =	shalt  }
0x48: {  	_ =	shalt  }
0x49: {  	_ =	shalt  }
0x4a: {  	_ =	shalt  }
0x4b: {  	_ =	shalt  }
0x4c: {  	_ =	shalt  }
0x4d: {  	_ =	shalt  }
0x4e: {  	_ =	shalt  }
0x4f: {  	_ =	shalt  }
0x50: {  	_ =	shalt  }
0x51: {  	_ =	shalt  }
0x52: {  	_ =	shalt  }
0x53: {  	_ =	shalt  }
0x54: {  	_ =	shalt  }
0x55: {  	_ =	shalt  }
0x56: {  	_ =	shalt  }
0x57: {  	_ =	shalt  }
0x58: {  	_ =	shalt  }
0x59: {  	_ =	shalt  }
0x5a: {  	_ =	shalt  }
0x5b: {  	_ =	shalt  }
0x5c: {  	_ =	shalt  }
0x5d: {  	_ =	shalt  }
0x5e: {  	_ =	shalt  }
0x5f: {  	_ =	shalt  }
0x60: {  	_ =	shalt  }
0x61: {  	_ =	shalt  }
0x62: {  	_ =	shalt  }
0x63: {  	_ =	shalt  }
0x64: {  	_ =	shalt  }
0x65: {  	_ =	shalt  }
0x66: {  	_ =	shalt  }
0x67: {  	_ =	shalt  }
0x68: {  	_ =	shalt  }
0x69: {  	_ =	shalt  }
0x6a: {  	_ =	shalt  }
0x6b: {  	_ =	shalt  }
0x6c: {  	_ =	shalt  }
0x6d: {  	_ =	shalt  }
0x6e: {  	_ =	shalt  }
0x6f: {  	_ =	shalt  }
0x70: {  	_ =	shalt  }
0x71: {  	_ =	shalt  }
0x72: {  	_ =	shalt  }
0x73: {  	_ =	shalt  }
0x74: {  	_ =	shalt  }
0x75: {  	_ =	shalt  }
0x76: {  	_ =	shalt  }
0x77: {  	_ =	shalt  }
0x78: {  	_ =	shalt  }
0x79: {  	_ =	shalt  }
0x7a: {  	_ =	shalt  }
0x7b: {  	_ =	shalt  }
0x7c: {  	_ =	shalt  }
0x7d: {  	_ =	shalt  }
0x7e: {  	_ =	shalt  }
0x7f: {  	_ =	shalt  }
0x80: {  	_ =	shalt  }
0x81: {  	_ =	shalt  }
0x82: {  	_ =	shalt  }
0x83: {  	_ =	shalt  }
0x84: {  	_ =	shalt  }
0x85: {  	_ =	shalt  }
0x86: {  	_ =	shalt  }
0x87: {  	_ =	shalt  }
.Lfunc_end0:
.L_simem_size_0:
called_computation_lowered:
.L_overlay_start_0:
0x88: {  	s2 =	sld [smem:$0x3FD9]  }
0x89: {  	s3 =	sld [smem:$0x3FFE];
	_ =	sdelay $0x1  }
0x8a: {  	s1 =	srdreg.scid  }
0x8b: {  	s0 =	sand.u32 $0x1, s1  }
0x8c: {  	s16 =	sshll.u32 s0, $0xA;
	s2 =	sadd.s32 s3, s2  }
0x8d: {  	s2 =	sadd.s32 s2, s16  }
0x8e: {  	[smem:$0x3FBF] =	sst s2  }
0x8f: {  	_ = 	snop  }
0x90: {  	(tm) =	ssettm $0x1  }
0x91: {  	s17 =	sld [smem:$0x3FFB];
	_ =	sdelay $0x3  }
0x92: {  	_ =	strace s17  }
0x93: {  	s2 =	sld [smem:$0x3FFC];
	_ =	sdelay $0x3  }
0x94: {  	_ =	strace s2  }
0x95: {  	s2 =	sld [smem:$0x3FFD];
	_ =	sdelay $0x3  }
0x96: {  	_ =	strace s2  }
0x97: {  	_ =	strace $0x8FFFFFFF  }
0x98: {  	s18 =	sld [smem:$0x3FDB];
	_ =	sdelay $0x1  }
0x99: {  	s19 =	simm.s32 $_scs_section_size  }
0x9a: {  	s4 =	simm.s32 $_size__tile_overlayer_lowered;
	s5 =	simm.s32 $_tile_overlayer_lowered  }
0x9b: {  	s22 =	simm.s32 $0x1BFF;
	s21 =	sshll.u32 s5, $0x1;
	s2 =	sadd.s32 s19, s18  }
0x9c: {  	s6 =	simm.s32 $0x0;
	s20 =	sshll.u32 s4, $0x1;
	s4 =	sadd.s32 s21, s2  }
0x9d: {  	[timem:s6], [sflag:s22] =	dma.local [hbm:s4], s20  }
0x9e: {  	_ =	swait.ge [sflag:s22], s20  }
0x9f: {  	s3 =	ssub.s32 $0x0, s20;
	[sflag:s22] =	ssyncset.done $0x0  }
0xa0: {  	[sflag:s22] =	ssyncadd.s32 s3;
	_ =	sdelay $0x1  }
0xa1: {  	s23 =	simm.s32 $0x1B8B  }
0xa2: {  	_ =	swait.ge [sflag:s23], $0x1  }
0xa3: {  	[sflag:s23] =	ssyncset.done $0x0  }
0xa4: {  	s25 =	simm.s32 $0x1B8E;
	s24 =	sld [smem:$0x3FFE];
	[sflag:s23] =	ssyncadd.s32 $0xFFFFFFFF  }
0xa5: {  	s26 =	simm.s32 $execute0_lowered;
	[smem:$0x3FD2] =	sst s25  }
0xa6: {  	s4 =	sshll.u32 s26, $0x1;
	_ =	strace $0x80000046;
	[dreg:$0x1] =	wrdreg $0xFFFFFFFF  }
0xa7: {  	s28 =	simm.s32 $_size_execute0_lowered;
	s2 =	sadd.s32 s2, s4;
	[dreg:$0x0] =	wrdreg $0x0  }
0xa8: {  	s4 =	sshll.u32 s28, $0x1;
	[dreg:$0x2] =	wrdreg s2  }
0xa9: {  	[dreg:$0x3] =	wrdreg s4  }
0xaa: {  	[dreg:$0x4] =	wrdreg $0xC0  }
0xab: {  	_ =	task [dreg:s6], $0x5FFFF  }
0xac: {  	[dreg:$0x1] =	wrdreg $0xFFFFFFFF  }
0xad: {  	[dreg:$0x0] =	wrdreg $0x60  }
0xae: {  	[dreg:$0x2] =	wrdreg s24  }
0xaf: {  	[dreg:$0x3] =	wrdreg $0x2BE80  }
0xb0: {  	[dreg:$0x4] =	wrdreg $0x9  }
0xb1: {  	_ =	task.clear_ibuf [dreg:s6], $0x5FFFF;
	_ =	strace $0x90000046  }
0xb2: {  	s29 =	simm.s32 $0x9;
	_ =	strace $0x80000048  }
0xb3: {  	_ =	swait.ge [sflag:s29], $0x1  }
0xb4: {  	[sflag:s29] =	ssyncadd.s32 $0xFFFFFFFF  }
0xb5: {  	_ =	strace $0x90000048  }
0xb6: {  	_ =	sfence  }
0xb7: {  	s30 =	sld [smem:$0x0];
	_ =	sdelay $0x2  }
0xb8: {  	s31 =	sshll.u32 s1, $0xD;
	s1 =	sshrl.u32 s1, $0x2  }
0xb9: {  	s3 =	sand.u32 $0x4000, s31;
	s1 =	sadd.s32 s1, s30  }
0xba: {  	s0 =	sor.u32 s3, s0;
	s1 =	sshll.u32 s1, $0x11  }
0xbb: {  	s0 =	sor.u32 s1, s0  }
0xbc: {  	s0 =	sadd.s32 $0x8F2B, s0  }
0xbd: {  	[sflag:s0] =	ssyncadd.remote.s32 $0x1  }
0xbe: {  	_ =	sfence.sel $0xFFFF  }
0xbf: {  	[dreg:$0x0] =	wrdreg $0xFFFFFFFF;
	(pc) =	sbr.abs _section_cstart, $3  }
0xc0: {  	[dreg:$0x1] =	wrdreg $0xFFFFFFFF  }
0xc1: {  	_ =	task.clear_ibuf [dreg:s6], $0x2FFFF;
	_ =	strace $0x9FFFFFFF  }
0xc2: {  	(tm) =	ssettm $0x7FFFFFFF  }
0xc3: {  	_ =	shalt  }
tec
execute0_lowered:
.L_overlay_start_1:
0x0: {  	(tag) =	ssettag $0x1  }
0x1: {  	s6 =	rddreg [dreg:$0x0]  }
0x2: {  	s0 =	srdreg.scid;
	s2 =	rddreg [dreg:$0x1];
	s3 =	simm.s32 $0x0  }
0x3: {  	s12 =	simm.s32 $0x7D;
	s5 =	sand.u32 $0x1, s0;
	s0 =	stileid.u32  }
0x4: {  	[smem:$0x7FF] =	sst s3;
	s1 =	sshll.u32 s5, $0x4;
	s8 =	smul.u32 $0x2780, s5  }
0x5: {  	s9 =	ssub.s32 $0x2, s5;
	s5 =	sadd.s32 $0xC200, s6;
	s11 =	smul.u32 $0x13C0, s0  }
0x6: {  	s30 =	sshll.u32 s0, $0x6;
	s4 =	sor.u32 s0, s1;
	s1 =	rddreg [dreg:$0x2]  }
0x7: {  	_ =	strace $0x80000047;
	s10 =	sshrl.u32 s9, $0x1;
	s4 =	smul.u32 $0x500, s4  }
0x8: {  	s8 =	sadd.s32 s8, s6;
	s9 =	ssub.s32 s9, s10;
	s31 =	sadd.s32 s11, s2  }
0x9: {  	s14 =	sshrl.u32 s11, $0x3;
	s10 =	simm.s32 $0x1;
	s11 =	simm.s32 $0x2800  }
0xa: {  	s13 =	sadd.s32 $0xC400, s8;
	s8 =	smax.u32 s9, $0x1;
	s9 =	sshrl.u32 s31, $0x3  }
0xb: {  	s7 =	sadd.s32 s4, s6;
	s4 =	sadd.s32 $0xBE00, s6;
	s6 =	sor.u32 $0x1C01, s30  }
0xc: {  	s13 =	sadd.s32 s14, s13;
	s14 =	simm.s32 $0x0;
	s7 =	sadd.s32 $0x1E00, s7  }
.LBB2_1:
0xd: {  	[spmem:s9], [sflag:s6] =	dma.local [hbm:s4], $0x278  }
0xe: {  	_ =	swait.ge [sflag:s10], $0x278  }
0xf: {  	[sflag:s10] =	ssyncset.done $0x0  }
0x10: {  	[sflag:s10] =	ssyncadd.s32 $0xFFFFFD88  }
0x11: {  	[tilespmem:s11], [sflag:$0x1] =	stream.linear.gather [hbm4b:s5+s3], $0x3E8, $0x38;
	[tilespmem:$0x3FA8] =	vst v63  }
0x12: {  	_ =	swait.ge [sflag:s10], $0x3E8  }
0x13: {  	[sflag:s10] =	ssyncset.done $0x0  }
0x14: {  	[sflag:s10] =	ssyncadd.s32 $0xFFFFFC18  }
0x15: {  	[tilespmem:s3], [sflag:$0x1] =	stream.linear.gather [hbm4b:s7+s3], $0x2800, $0x38;
	[tilespmem:$0x3FA8] =	vst v63  }
0x16: {  	_ =	swait.ge [sflag:s10], $0x2800  }
0x17: {  	[sflag:s10] =	ssyncset.done $0x0  }
0x18: {  	[sflag:s10] =	ssyncadd.s32 $0xFFFFD800  }
0x19: {  	s15 =	simm.s32 $0x0;
	[bflag:$0x0] =	sbarrier.arrive $0xFFFF  }
0x1a: {  	[spmem:s2] =	stream.indirect.scatter.add.f32 [tilespmem:s11], [sflag:$0x1], $0x8, s15, s12, $0xb8;
	[tilespmem:$0x3FA8] =	vst v63  }
0x1b: {  	_ =	swait.ge [sflag:s10], $0x3E8  }
0x1c: {  	s15 =	simm.s32 $0x200;
	[sflag:s10] =	ssyncset.done $0x0  }
.LBB2_2:
0x1d: {  	s16 =	sshra.s32 s15, $0x2;
	[sflag:s10] =	ssyncadd.s32 $0xFFFFFC18;
	p0 =	sne.s32 s15, $0x9E00  }
0x1e: {  	[spmem:s2] =	stream.indirect.scatter.add.f32 [tilespmem:s11], [sflag:$0x1], $0x8, s16, s12, $0xb8;
	[tilespmem:$0x3FA8] =	vst v63  }
.Ltmp0:
0x1f: {  	_ = 	snop;
	(pc) =	sbr.rel @p0 .LBB2_2-.Ltmp0, $4  }
0x20: {  	_ = 	snop  }
0x21: {  	s15 =	sadd.s32 $0x200, s15  }
0x22: {  	_ =	swait.ge [sflag:s10], $0x3E8  }
0x23: {  	[sflag:s10] =	ssyncset.done $0x0  }
0x24: {  	s14 =	sadd.s32 $0x1, s14  }
0x25: {  	[sflag:s10] =	ssyncadd.s32 $0xFFFFFC18;
	p0 =	sne.s32 s14, s8  }
.Ltmp1:
0x26: {  	[bflag:$0x0] =	sbarrier.arrive $0xFFFF;
	(pc) =	sbr.rel @p0 .LBB2_1-.Ltmp1, $4  }
0x27: {  	[hbm:s13], [sflag:s6] =	dma.local [spmem:s9], $0x278  }
0x28: {  	_ =	swait.ge [sflag:s10], $0x278  }
0x29: {  	[sflag:s10] =	ssyncset.done $0x0  }
0x2a: {  	[sflag:s10] =	ssyncadd.s32 $0xFFFFFD88  }
0x2b: {  	_ =	sfence.sel $0x180000  }
0x2c: {  	[bflag:$0x0] =	sbarrier.arrive $0xFFFF  }
0x2d: {  	p0 =	sne.s32 s0, $0x0;
	_ =	strace $0x90000047  }
0x2e: {  	s0 =	sadd.s32 @!p0 $0x100000, s1;
	[bflag:$0x2] =	sbarrier.arrive $0xFFFF  }
0x2f: {  	[sflag:s0] =	ssyncadd.tile.s32 @!p0 $0x1;
	_ =	shalt  }
.Lfunc_end2:
_tile_overlayer_lowered:
.L_overlay_start_2:
0x30: {  	(tag) =	ssettag $0x2  }
0x31: {  	s0 =	rddreg [dreg:$0x0];
	s2 =	stileid.u32  }
0x32: {  	s1 =	rddreg [dreg:$0x1];
	p0 =	sne.s32 s2, $0x0  }
0x33: {  	s3 =	rddreg [dreg:$0x2];
	[bflag:$0x3] =	sbarrier.arrive $0xFFFF;
	s2 =	simm.s32 @!p0 $0x1C01  }
0x34: {  	[timem:s3], [sflag:s2] =	dma.local @!p0 [hbm:s0], s1  }
0x35: {  	s0 =	simm.s32 @!p0 $0x1  }
0x36: {  	_ =	swait.ge @!p0 [sflag:s0], s1  }
0x37: {  	s1 =	ssub.s32 @!p0 $0x0, s1;
	[sflag:s0] =	ssyncset.done @!p0 $0x0  }
0x38: {  	[sflag:s0] =	ssyncadd.s32 @!p0 s1  }
0x39: {  	[bflag:$0x3] =	sbarrier.arrive $0xFFFF  }
0x3a: {  	_ =	shalt  }

</sc_bundles>
